<compile_context>
chip_gen: v7x
topology: tpu7x:2x2x1
jax: 0.10.2.dev20260603
libtpu: 0.0.44.dev20260713+nightly
codegen_flags: <defaults>
</compile_context>

<pallas_src>
import jax
import jax.numpy as jnp
from jax import lax
from jax.experimental import pallas as pl
from jax.experimental.pallas import tpu as pltpu
from jax.experimental.pallas import tpu_sc as plsc

B, L, D = 16, 4096, 128
NUM_SEGMENTS = 1024

NUM_CORES = 2
NUM_SUBCORES = 16
LANES = 16

BATCH_PER_CORE = B // NUM_CORES
TILES_PER_BATCH = NUM_SUBCORES // BATCH_PER_CORE
ROWS_PER_TILE = L // TILES_PER_BATCH
CHUNK = 128
NCHUNK = ROWS_PER_TILE // CHUNK
SEG_PER_TILE = NUM_SEGMENTS // TILES_PER_BATCH
NBUF = 3
ZROWS = 32


def _sc_body(v_hbm, seg_hbm, out_hbm, vbufs, idx_all, zbuf,
             lsems, ssems, zsem, acc):
    c = lax.axis_index("c")
    s = lax.axis_index("s")
    b_local = s // TILES_PER_BATCH
    half = s % TILES_PER_BATCH
    b = c * BATCH_PER_CORE + b_local
    row0 = half * ROWS_PER_TILE
    tbl_base = b_local * NUM_SEGMENTS
    acc_base = tbl_base + half * SEG_PER_TILE

    ldescs = {}

    def start_load(k):
        off = row0 + k * CHUNK
        ldescs[k] = pltpu.async_copy(
            v_hbm.at[b, pl.ds(off, CHUNK)], vbufs[k % NBUF], lsems[k % NBUF])

    for j in range(NBUF):
        start_load(j)
    idx_descs = [
        pltpu.async_copy(
            seg_hbm.at[b, pl.ds(half * NCHUNK, NCHUNK)], idx_all, ssems[1])
    ]

    @pl.loop(0, ZROWS)
    def _(i):
        for j in range(D // LANES):
            zbuf[i, pl.ds(j * LANES, LANES)] = jnp.zeros((LANES,), jnp.float32)
    zdescs = [
        pltpu.async_copy(zbuf, acc.at[pl.ds(acc_base + r * ZROWS, ZROWS)], zsem)
        for r in range(SEG_PER_TILE // ZROWS)
    ]

    for d in idx_descs:
        d.wait()
    @pl.loop(0, NCHUNK)
    def _(k):
        for j in range(CHUNK // LANES):
            sl = pl.ds(j * LANES, LANES)
            idx_all[k, sl] = idx_all[k, sl] + tbl_base

    for d in zdescs:
        d.wait()
    plsc.subcore_barrier()

    for k in range(NCHUNK):
        ldescs[k].wait()
        pltpu.async_copy(
            vbufs[k % NBUF], acc.at[idx_all.at[k]], ssems[0], add=True).wait()
        if k + NBUF < NCHUNK:
            start_load(k + NBUF)

    plsc.subcore_barrier()
    pltpu.sync_copy(
        acc.at[pl.ds(acc_base, SEG_PER_TILE)],
        out_hbm.at[b, pl.ds(half * SEG_PER_TILE, SEG_PER_TILE)])


def kernel(data, v, segment_index):
    assert data.shape == v.shape
    seg32 = segment_index.astype(jnp.int32).reshape(
        B, TILES_PER_BATCH * NCHUNK, CHUNK)
    mesh = plsc.VectorSubcoreMesh(
        core_axis_name="c", subcore_axis_name="s",
        num_cores=NUM_CORES, num_subcores=NUM_SUBCORES,
    )
    out = pl.kernel(
        _sc_body,
        out_type=jax.ShapeDtypeStruct((B, NUM_SEGMENTS, D), jnp.float32),
        mesh=mesh,
        scratch_types=[
            [pltpu.VMEM((CHUNK, D), jnp.float32) for _ in range(NBUF)],
            pltpu.VMEM((NCHUNK, CHUNK), jnp.int32),
            pltpu.VMEM((ZROWS, D), jnp.float32),
            [pltpu.SemaphoreType.DMA for _ in range(NBUF)],
            [pltpu.SemaphoreType.DMA for _ in range(NBUF)],
            pltpu.SemaphoreType.DMA,
            pltpu.VMEM_SHARED((BATCH_PER_CORE * NUM_SEGMENTS, D), jnp.float32),
        ],
    )(v, seg32)
    return out

# --- scband reference (transcript-rebuilt; emitter-appended) ---
"""Pipeline reference for scband-fdunsorted-segment-sum-12661563588635 (READ-ONLY COPY).

The authoritative reference and input builder live on the scoring server;
editing this copy changes nothing except your own understanding.
"""

import jax, jax.numpy as jnp
import numpy as np

NUM_SEGMENTS = 1024
B, L, D = 16, 4096, 128

def setup_inputs(seed: int = 0) -> dict:
    key = jax.random.key(seed)
    k1, k2, k3 = jax.random.split(key, 3)
    data = jax.random.normal(k1, (B, L, D), dtype=jnp.float32)
    v = jax.random.normal(k2, (B, L, D), dtype=jnp.float32)
    segment_index = jax.random.randint(k3, (B, L), 0, NUM_SEGMENTS, dtype=jnp.int64)
    return {"data": data, "v": v, "segment_index": segment_index}

def reference(data, v, segment_index):
    # dim == 1 default path: v is [B, L, ...], flatten trailing dims, segment-sum over dim 1
    assert data.shape == v.shape, '{} vs {}'.format(data.shape, v.shape)
    size_prev = list(v.shape)
    v2 = v.reshape(size_prev[0], size_prev[1], -1)
    # unsorted segment sum per batch row: out[b, s, f] = sum_{l: seg[b,l]==s} v2[b, l, f]
    def per_batch(vb, sb):
        return jax.ops.segment_sum(vb, sb, num_segments=NUM_SEGMENTS)
    out = jax.vmap(per_batch)(v2, segment_index)
    size_prev[1] = NUM_SEGMENTS
    out = out.reshape(size_prev)
    return out

if __name__ == "__main__":
    import jax
    _d = setup_inputs()
    print(jax.jit(kernel)(*tuple(_d.values())))

</pallas_src>

<mosaic_0001>
#map = affine_map<(d0, d1) -> (0, 0, 0)>
module attributes {stable_mosaic.version = 14 : i64} {
  func.func @_sc_body(%arg0: i32, %arg1: i32, %arg2: memref<16x4096x128xf32, #tpu.memory_space<hbm>>, %arg3: memref<16x32x128xi32, #tpu.memory_space<hbm>>, %arg4: memref<16x1024x128xf32, #tpu.memory_space<hbm>>, %arg5: memref<128x128xf32, #tpu.memory_space<vmem>>, %arg6: memref<128x128xf32, #tpu.memory_space<vmem>>, %arg7: memref<128x128xf32, #tpu.memory_space<vmem>>, %arg8: memref<16x128xi32, #tpu.memory_space<vmem>>, %arg9: memref<32x128xf32, #tpu.memory_space<vmem>>, %arg10: memref<!tpu.dma_semaphore, #tpu.memory_space<semaphore_mem>>, %arg11: memref<!tpu.dma_semaphore, #tpu.memory_space<semaphore_mem>>, %arg12: memref<!tpu.dma_semaphore, #tpu.memory_space<semaphore_mem>>, %arg13: memref<!tpu.dma_semaphore, #tpu.memory_space<semaphore_mem>>, %arg14: memref<!tpu.dma_semaphore, #tpu.memory_space<semaphore_mem>>, %arg15: memref<!tpu.dma_semaphore, #tpu.memory_space<semaphore_mem>>, %arg16: memref<!tpu.dma_semaphore, #tpu.memory_space<semaphore_mem>>, %arg17: memref<8192x128xf32, #tpu.memory_space<vmem_shared>>) attributes {dimension_semantics = [#tpu.dimension_semantics<core_parallel>, #tpu.dimension_semantics<subcore_parallel>], iteration_bounds = array<i64: 2, 16>, scalar_prefetch = 0 : i64, scratch_operands = 13 : i64, tpu.core_type = #tpu.core_type<sc_vector_subcore>, window_params = [{transform_indices = #map}, {transform_indices = #map}, {transform_indices = #map}]} {
    %jit3A = arith.constant 2 : i32
    %div3A = arith.divsi %arg1, %jit3A : i32
    %sign3A = arith.constant 0 : i32
    %sign3A_0 = arith.cmpi sgt, %arg1, %sign3A : i32
    %sign3A_1 = arith.extui %sign3A_0 : i1 to i32
    %sign3A_2 = arith.constant 0 : i32
    %sign3A_3 = arith.cmpi slt, %arg1, %sign3A_2 : i32
    %sign3A_4 = arith.extui %sign3A_3 : i1 to i32
    %sign3A_5 = arith.subi %sign3A_1, %sign3A_4 : i32
    %sign3A_6 = arith.constant 0 : i32
    %sign3A_7 = arith.cmpi sgt, %jit3A, %sign3A_6 : i32
    %sign3A_8 = arith.extui %sign3A_7 : i1 to i32
    %sign3A_9 = arith.constant 0 : i32
    %sign3A_10 = arith.cmpi slt, %jit3A, %sign3A_9 : i32
    %sign3A_11 = arith.extui %sign3A_10 : i1 to i32
    %sign3A_12 = arith.subi %sign3A_8, %sign3A_11 : i32
    %ne3A = arith.cmpi ne, %sign3A_5, %sign3A_12 : i32
    %rem3A = arith.remsi %arg1, %jit3A : i32
    %ne3A_13 = arith.constant 0 : i32
    %ne3A_14 = arith.cmpi ne, %rem3A, %ne3A_13 : i32
    %and3A = arith.andi %ne3A, %ne3A_14 : i1
    %sub3A = arith.constant 1 : i32
    %sub3A_15 = arith.subi %div3A, %sub3A : i32
    %select_n3A = arith.select %and3A, %sub3A_15, %div3A : i32
    %jit3A_16 = arith.constant 2 : i32
    %eq3A = arith.constant 0 : i32
    %eq3A_17 = arith.cmpi eq, %jit3A_16, %eq3A : i32
    %jit3A_18 = arith.constant 1 : i32
    %select_n3A_19 = arith.select %eq3A_17, %jit3A_18, %jit3A_16 : i32
    %rem3A_20 = arith.remsi %arg1, %select_n3A_19 : i32
    %ne3A_21 = arith.constant 0 : i32
    %ne3A_22 = arith.cmpi ne, %rem3A_20, %ne3A_21 : i32
    %lt3A = arith.constant 0 : i32
    %lt3A_23 = arith.cmpi slt, %rem3A_20, %lt3A : i32
    %lt3A_24 = arith.constant 0 : i32
    %lt3A_25 = arith.cmpi slt, %select_n3A_19, %lt3A_24 : i32
    %ne3A_26 = arith.xori %lt3A_23, %lt3A_25 : i1
    %and3A_27 = arith.andi %ne3A_26, %ne3A_22 : i1
    %add3A = arith.addi %rem3A_20, %select_n3A_19 : i32
    %select_n3A_28 = arith.select %and3A_27, %add3A, %rem3A_20 : i32
    %mul3A = arith.constant 8 : i32
    %mul3A_29 = arith.muli %arg0, %mul3A : i32
    %add3A_30 = arith.addi %mul3A_29, %select_n3A : i32
    %mul3A_31 = arith.constant 2048 : i32
    %mul3A_32 = arith.muli %select_n3A_28, %mul3A_31 : i32
    %mul3A_33 = arith.constant 1024 : i32
    %mul3A_34 = arith.muli %select_n3A, %mul3A_33 : i32
    %mul3A_35 = arith.constant 512 : i32
    %mul3A_36 = arith.muli %select_n3A_28, %mul3A_35 : i32
    %add3A_37 = arith.addi %mul3A_34, %mul3A_36 : i32
    %add3A_38 = arith.constant 0 : i32
    %add3A_39 = arith.addi %mul3A_32, %add3A_38 : i32
    %dma_start3A = arith.constant 0 : i32
    %dma_start3A_40 = tpu.memref_slice %arg2[%add3A_30, %add3A_39, %dma_start3A] : memref<16x4096x128xf32, #tpu.memory_space<hbm>> -> memref<1x128x128xf32, #tpu.memory_space<hbm>>
    %dma_start3A_41 = tpu.memref_squeeze %dma_start3A_40 : memref<1x128x128xf32, #tpu.memory_space<hbm>> -> memref<128x128xf32, #tpu.memory_space<hbm>>
    %dma_start3A_42 = arith.constant 0 : i32
    %dma_start3A_43 = tpu.memref_slice %arg2[%add3A_30, %add3A_39, %dma_start3A_42] : memref<16x4096x128xf32, #tpu.memory_space<hbm>> -> memref<1x128x128xf32, #tpu.memory_space<hbm>>
    %dma_start3A_44 = tpu.memref_squeeze %dma_start3A_43 : memref<1x128x128xf32, #tpu.memory_space<hbm>> -> memref<128x128xf32, #tpu.memory_space<hbm>>
    tpu.enqueue_dma source(%dma_start3A_44 : memref<128x128xf32, #tpu.memory_space<hbm>>) target(%arg5 : memref<128x128xf32, #tpu.memory_space<vmem>>) target_semaphore(%arg10 : memref<!tpu.dma_semaphore, #tpu.memory_space<semaphore_mem>>)
    %add3A_45 = arith.constant 128 : i32
    %add3A_46 = arith.addi %mul3A_32, %add3A_45 : i32
    %dma_start3A_47 = arith.constant 0 : i32
    %dma_start3A_48 = tpu.memref_slice %arg2[%add3A_30, %add3A_46, %dma_start3A_47] : memref<16x4096x128xf32, #tpu.memory_space<hbm>> -> memref<1x128x128xf32, #tpu.memory_space<hbm>>
    %dma_start3A_49 = tpu.memref_squeeze %dma_start3A_48 : memref<1x128x128xf32, #tpu.memory_space<hbm>> -> memref<128x128xf32, #tpu.memory_space<hbm>>
    %dma_start3A_50 = arith.constant 0 : i32
    %dma_start3A_51 = tpu.memref_slice %arg2[%add3A_30, %add3A_46, %dma_start3A_50] : memref<16x4096x128xf32, #tpu.memory_space<hbm>> -> memref<1x128x128xf32, #tpu.memory_space<hbm>>
    %dma_start3A_52 = tpu.memref_squeeze %dma_start3A_51 : memref<1x128x128xf32, #tpu.memory_space<hbm>> -> memref<128x128xf32, #tpu.memory_space<hbm>>
    tpu.enqueue_dma source(%dma_start3A_52 : memref<128x128xf32, #tpu.memory_space<hbm>>) target(%arg6 : memref<128x128xf32, #tpu.memory_space<vmem>>) target_semaphore(%arg11 : memref<!tpu.dma_semaphore, #tpu.memory_space<semaphore_mem>>)
    %add3A_53 = arith.constant 256 : i32
    %add3A_54 = arith.addi %mul3A_32, %add3A_53 : i32
    %dma_start3A_55 = arith.constant 0 : i32
    %dma_start3A_56 = tpu.memref_slice %arg2[%add3A_30, %add3A_54, %dma_start3A_55] : memref<16x4096x128xf32, #tpu.memory_space<hbm>> -> memref<1x128x128xf32, #tpu.memory_space<hbm>>
    %dma_start3A_57 = tpu.memref_squeeze %dma_start3A_56 : memref<1x128x128xf32, #tpu.memory_space<hbm>> -> memref<128x128xf32, #tpu.memory_space<hbm>>
    %dma_start3A_58 = arith.constant 0 : i32
    %dma_start3A_59 = tpu.memref_slice %arg2[%add3A_30, %add3A_54, %dma_start3A_58] : memref<16x4096x128xf32, #tpu.memory_space<hbm>> -> memref<1x128x128xf32, #tpu.memory_space<hbm>>
    %dma_start3A_60 = tpu.memref_squeeze %dma_start3A_59 : memref<1x128x128xf32, #tpu.memory_space<hbm>> -> memref<128x128xf32, #tpu.memory_space<hbm>>
    tpu.enqueue_dma source(%dma_start3A_60 : memref<128x128xf32, #tpu.memory_space<hbm>>) target(%arg7 : memref<128x128xf32, #tpu.memory_space<vmem>>) target_semaphore(%arg12 : memref<!tpu.dma_semaphore, #tpu.memory_space<semaphore_mem>>)
    %mul3A_61 = arith.constant 16 : i32
    %mul3A_62 = arith.muli %select_n3A_28, %mul3A_61 : i32
    %dma_start3A_63 = arith.constant 0 : i32
    %dma_start3A_64 = tpu.memref_slice %arg3[%add3A_30, %mul3A_62, %dma_start3A_63] : memref<16x32x128xi32, #tpu.memory_space<hbm>> -> memref<1x16x128xi32, #tpu.memory_space<hbm>>
    %dma_start3A_65 = tpu.memref_squeeze %dma_start3A_64 : memref<1x16x128xi32, #tpu.memory_space<hbm>> -> memref<16x128xi32, #tpu.memory_space<hbm>>
    %dma_start3A_66 = arith.constant 0 : i32
    %dma_start3A_67 = tpu.memref_slice %arg3[%add3A_30, %mul3A_62, %dma_start3A_66] : memref<16x32x128xi32, #tpu.memory_space<hbm>> -> memref<1x16x128xi32, #tpu.memory_space<hbm>>
    %dma_start3A_68 = tpu.memref_squeeze %dma_start3A_67 : memref<1x16x128xi32, #tpu.memory_space<hbm>> -> memref<16x128xi32, #tpu.memory_space<hbm>>
    tpu.enqueue_dma source(%dma_start3A_68 : memref<16x128xi32, #tpu.memory_space<hbm>>) target(%arg8 : memref<16x128xi32, #tpu.memory_space<vmem>>) target_semaphore(%arg14 : memref<!tpu.dma_semaphore, #tpu.memory_space<semaphore_mem>>)
    %scan3A = arith.constant 0 : i32
    %scan3A_69 = arith.constant 32 : i32
    %scan3A_70 = arith.addi %scan3A, %scan3A_69 : i32
    %scan3A_71 = arith.constant 1 : i32
    scf.for %scan3A_670 = %scan3A to %scan3A_70 step %scan3A_71  : i32 {
      %mul3A_671 = arith.constant 1 : i32
      %mul3A_672 = arith.muli %scan3A_670, %mul3A_671 : i32
      %add3A_673 = arith.constant 0 : i32
      %add3A_674 = arith.addi %add3A_673, %mul3A_672 : i32
      %broadcast_in_dim3A = arith.constant 0.000000e+00 : f32
      %broadcast_in_dim3A_675 = vector.broadcast %broadcast_in_dim3A : f32 to vector<16xf32>
      %swap3A = arith.index_cast %add3A_674 : i32 to index
      %swap3A_676 = arith.constant 0 : index
      %swap3A_677 = tpu.vector_load %arg9[%swap3A, %swap3A_676] {strides = array<i32>} : memref<32x128xf32, #tpu.memory_space<vmem>>, vector<1x16xf32>,
      %swap3A_678 = vector.shape_cast %swap3A_677 : vector<1x16xf32> to vector<16xf32>
      %swap3A_679 = vector.shape_cast %broadcast_in_dim3A_675 : vector<16xf32> to vector<1x16xf32>
      tpu.vector_store %arg9[%swap3A, %swap3A_676], %swap3A_679 {strides = array<i32>} : memref<32x128xf32, #tpu.memory_space<vmem>>, vector<1x16xf32>,
      %broadcast_in_dim3A_680 = arith.constant 0.000000e+00 : f32
      %broadcast_in_dim3A_681 = vector.broadcast %broadcast_in_dim3A_680 : f32 to vector<16xf32>
      %swap3A_682 = arith.index_cast %add3A_674 : i32 to index
      %swap3A_683 = arith.constant 16 : index
      %swap3A_684 = tpu.vector_load %arg9[%swap3A_682, %swap3A_683] {strides = array<i32>} : memref<32x128xf32, #tpu.memory_space<vmem>>, vector<1x16xf32>,
      %swap3A_685 = vector.shape_cast %swap3A_684 : vector<1x16xf32> to vector<16xf32>
      %swap3A_686 = vector.shape_cast %broadcast_in_dim3A_681 : vector<16xf32> to vector<1x16xf32>
      tpu.vector_store %arg9[%swap3A_682, %swap3A_683], %swap3A_686 {strides = array<i32>} : memref<32x128xf32, #tpu.memory_space<vmem>>, vector<1x16xf32>,
      %broadcast_in_dim3A_687 = arith.constant 0.000000e+00 : f32
      %broadcast_in_dim3A_688 = vector.broadcast %broadcast_in_dim3A_687 : f32 to vector<16xf32>
      %swap3A_689 = arith.index_cast %add3A_674 : i32 to index
      %swap3A_690 = arith.constant 32 : index
      %swap3A_691 = tpu.vector_load %arg9[%swap3A_689, %swap3A_690] {strides = array<i32>} : memref<32x128xf32, #tpu.memory_space<vmem>>, vector<1x16xf32>,
      %swap3A_692 = vector.shape_cast %swap3A_691 : vector<1x16xf32> to vector<16xf32>
      %swap3A_693 = vector.shape_cast %broadcast_in_dim3A_688 : vector<16xf32> to vector<1x16xf32>
      tpu.vector_store %arg9[%swap3A_689, %swap3A_690], %swap3A_693 {strides = array<i32>} : memref<32x128xf32, #tpu.memory_space<vmem>>, vector<1x16xf32>,
      %broadcast_in_dim3A_694 = arith.constant 0.000000e+00 : f32
      %broadcast_in_dim3A_695 = vector.broadcast %broadcast_in_dim3A_694 : f32 to vector<16xf32>
      %swap3A_696 = arith.index_cast %add3A_674 : i32 to index
      %swap3A_697 = arith.constant 48 : index
      %swap3A_698 = tpu.vector_load %arg9[%swap3A_696, %swap3A_697] {strides = array<i32>} : memref<32x128xf32, #tpu.memory_space<vmem>>, vector<1x16xf32>,
      %swap3A_699 = vector.shape_cast %swap3A_698 : vector<1x16xf32> to vector<16xf32>
      %swap3A_700 = vector.shape_cast %broadcast_in_dim3A_695 : vector<16xf32> to vector<1x16xf32>
      tpu.vector_store %arg9[%swap3A_696, %swap3A_697], %swap3A_700 {strides = array<i32>} : memref<32x128xf32, #tpu.memory_space<vmem>>, vector<1x16xf32>,
      %broadcast_in_dim3A_701 = arith.constant 0.000000e+00 : f32
      %broadcast_in_dim3A_702 = vector.broadcast %broadcast_in_dim3A_701 : f32 to vector<16xf32>
      %swap3A_703 = arith.index_cast %add3A_674 : i32 to index
      %swap3A_704 = arith.constant 64 : index
      %swap3A_705 = tpu.vector_load %arg9[%swap3A_703, %swap3A_704] {strides = array<i32>} : memref<32x128xf32, #tpu.memory_space<vmem>>, vector<1x16xf32>,
      %swap3A_706 = vector.shape_cast %swap3A_705 : vector<1x16xf32> to vector<16xf32>
      %swap3A_707 = vector.shape_cast %broadcast_in_dim3A_702 : vector<16xf32> to vector<1x16xf32>
      tpu.vector_store %arg9[%swap3A_703, %swap3A_704], %swap3A_707 {strides = array<i32>} : memref<32x128xf32, #tpu.memory_space<vmem>>, vector<1x16xf32>,
      %broadcast_in_dim3A_708 = arith.constant 0.000000e+00 : f32
      %broadcast_in_dim3A_709 = vector.broadcast %broadcast_in_dim3A_708 : f32 to vector<16xf32>
      %swap3A_710 = arith.index_cast %add3A_674 : i32 to index
      %swap3A_711 = arith.constant 80 : index
      %swap3A_712 = tpu.vector_load %arg9[%swap3A_710, %swap3A_711] {strides = array<i32>} : memref<32x128xf32, #tpu.memory_space<vmem>>, vector<1x16xf32>,
      %swap3A_713 = vector.shape_cast %swap3A_712 : vector<1x16xf32> to vector<16xf32>
      %swap3A_714 = vector.shape_cast %broadcast_in_dim3A_709 : vector<16xf32> to vector<1x16xf32>
      tpu.vector_store %arg9[%swap3A_710, %swap3A_711], %swap3A_714 {strides = array<i32>} : memref<32x128xf32, #tpu.memory_space<vmem>>, vector<1x16xf32>,
      %broadcast_in_dim3A_715 = arith.constant 0.000000e+00 : f32
      %broadcast_in_dim3A_716 = vector.broadcast %broadcast_in_dim3A_715 : f32 to vector<16xf32>
      %swap3A_717 = arith.index_cast %add3A_674 : i32 to index
      %swap3A_718 = arith.constant 96 : index
      %swap3A_719 = tpu.vector_load %arg9[%swap3A_717, %swap3A_718] {strides = array<i32>} : memref<32x128xf32, #tpu.memory_space<vmem>>, vector<1x16xf32>,
      %swap3A_720 = vector.shape_cast %swap3A_719 : vector<1x16xf32> to vector<16xf32>
      %swap3A_721 = vector.shape_cast %broadcast_in_dim3A_716 : vector<16xf32> to vector<1x16xf32>
      tpu.vector_store %arg9[%swap3A_717, %swap3A_718], %swap3A_721 {strides = array<i32>} : memref<32x128xf32, #tpu.memory_space<vmem>>, vector<1x16xf32>,
      %broadcast_in_dim3A_722 = arith.constant 0.000000e+00 : f32
      %broadcast_in_dim3A_723 = vector.broadcast %broadcast_in_dim3A_722 : f32 to vector<16xf32>
      %swap3A_724 = arith.index_cast %add3A_674 : i32 to index
      %swap3A_725 = arith.constant 112 : index
      %swap3A_726 = tpu.vector_load %arg9[%swap3A_724, %swap3A_725] {strides = array<i32>} : memref<32x128xf32, #tpu.memory_space<vmem>>, vector<1x16xf32>,
      %swap3A_727 = vector.shape_cast %swap3A_726 : vector<1x16xf32> to vector<16xf32>
      %swap3A_728 = vector.shape_cast %broadcast_in_dim3A_723 : vector<16xf32> to vector<1x16xf32>
      tpu.vector_store %arg9[%swap3A_724, %swap3A_725], %swap3A_728 {strides = array<i32>} : memref<32x128xf32, #tpu.memory_space<vmem>>, vector<1x16xf32>,
    }
    %scan3A_72 = arith.constant 32 : i32
    %add3A_73 = arith.constant 0 : i32
    %add3A_74 = arith.addi %add3A_37, %add3A_73 : i32
    %dma_start3A_75 = arith.constant 0 : i32
    %dma_start3A_76 = tpu.memref_slice %arg17[%add3A_74, %dma_start3A_75] : memref<8192x128xf32, #tpu.memory_space<vmem_shared>> -> memref<32x128xf32, #tpu.memory_space<vmem_shared>>
    %dma_start3A_77 = arith.constant 0 : i32
    %dma_start3A_78 = tpu.memref_slice %arg17[%add3A_74, %dma_start3A_77] : memref<8192x128xf32, #tpu.memory_space<vmem_shared>> -> memref<32x128xf32, #tpu.memory_space<vmem_shared>>
    tpu.enqueue_dma source(%arg9 : memref<32x128xf32, #tpu.memory_space<vmem>>) target(%dma_start3A_78 : memref<32x128xf32, #tpu.memory_space<vmem_shared>>) target_semaphore(%arg16 : memref<!tpu.dma_semaphore, #tpu.memory_space<semaphore_mem>>)
    %add3A_79 = arith.constant 32 : i32
    %add3A_80 = arith.addi %add3A_37, %add3A_79 : i32
    %dma_start3A_81 = arith.constant 0 : i32
    %dma_start3A_82 = tpu.memref_slice %arg17[%add3A_80, %dma_start3A_81] : memref<8192x128xf32, #tpu.memory_space<vmem_shared>> -> memref<32x128xf32, #tpu.memory_space<vmem_shared>>
    %dma_start3A_83 = arith.constant 0 : i32
    %dma_start3A_84 = tpu.memref_slice %arg17[%add3A_80, %dma_start3A_83] : memref<8192x128xf32, #tpu.memory_space<vmem_shared>> -> memref<32x128xf32, #tpu.memory_space<vmem_shared>>
    tpu.enqueue_dma source(%arg9 : memref<32x128xf32, #tpu.memory_space<vmem>>) target(%dma_start3A_84 : memref<32x128xf32, #tpu.memory_space<vmem_shared>>) target_semaphore(%arg16 : memref<!tpu.dma_semaphore, #tpu.memory_space<semaphore_mem>>)
    %add3A_85 = arith.constant 64 : i32
    %add3A_86 = arith.addi %add3A_37, %add3A_85 : i32
    %dma_start3A_87 = arith.constant 0 : i32
    %dma_start3A_88 = tpu.memref_slice %arg17[%add3A_86, %dma_start3A_87] : memref<8192x128xf32, #tpu.memory_space<vmem_shared>> -> memref<32x128xf32, #tpu.memory_space<vmem_shared>>
    %dma_start3A_89 = arith.constant 0 : i32
    %dma_start3A_90 = tpu.memref_slice %arg17[%add3A_86, %dma_start3A_89] : memref<8192x128xf32, #tpu.memory_space<vmem_shared>> -> memref<32x128xf32, #tpu.memory_space<vmem_shared>>
    tpu.enqueue_dma source(%arg9 : memref<32x128xf32, #tpu.memory_space<vmem>>) target(%dma_start3A_90 : memref<32x128xf32, #tpu.memory_space<vmem_shared>>) target_semaphore(%arg16 : memref<!tpu.dma_semaphore, #tpu.memory_space<semaphore_mem>>)
    %add3A_91 = arith.constant 96 : i32
    %add3A_92 = arith.addi %add3A_37, %add3A_91 : i32
    %dma_start3A_93 = arith.constant 0 : i32
    %dma_start3A_94 = tpu.memref_slice %arg17[%add3A_92, %dma_start3A_93] : memref<8192x128xf32, #tpu.memory_space<vmem_shared>> -> memref<32x128xf32, #tpu.memory_space<vmem_shared>>
    %dma_start3A_95 = arith.constant 0 : i32
    %dma_start3A_96 = tpu.memref_slice %arg17[%add3A_92, %dma_start3A_95] : memref<8192x128xf32, #tpu.memory_space<vmem_shared>> -> memref<32x128xf32, #tpu.memory_space<vmem_shared>>
    tpu.enqueue_dma source(%arg9 : memref<32x128xf32, #tpu.memory_space<vmem>>) target(%dma_start3A_96 : memref<32x128xf32, #tpu.memory_space<vmem_shared>>) target_semaphore(%arg16 : memref<!tpu.dma_semaphore, #tpu.memory_space<semaphore_mem>>)
    %add3A_97 = arith.constant 128 : i32
    %add3A_98 = arith.addi %add3A_37, %add3A_97 : i32
    %dma_start3A_99 = arith.constant 0 : i32
    %dma_start3A_100 = tpu.memref_slice %arg17[%add3A_98, %dma_start3A_99] : memref<8192x128xf32, #tpu.memory_space<vmem_shared>> -> memref<32x128xf32, #tpu.memory_space<vmem_shared>>
    %dma_start3A_101 = arith.constant 0 : i32
    %dma_start3A_102 = tpu.memref_slice %arg17[%add3A_98, %dma_start3A_101] : memref<8192x128xf32, #tpu.memory_space<vmem_shared>> -> memref<32x128xf32, #tpu.memory_space<vmem_shared>>
    tpu.enqueue_dma source(%arg9 : memref<32x128xf32, #tpu.memory_space<vmem>>) target(%dma_start3A_102 : memref<32x128xf32, #tpu.memory_space<vmem_shared>>) target_semaphore(%arg16 : memref<!tpu.dma_semaphore, #tpu.memory_space<semaphore_mem>>)
    %add3A_103 = arith.constant 160 : i32
    %add3A_104 = arith.addi %add3A_37, %add3A_103 : i32
    %dma_start3A_105 = arith.constant 0 : i32
    %dma_start3A_106 = tpu.memref_slice %arg17[%add3A_104, %dma_start3A_105] : memref<8192x128xf32, #tpu.memory_space<vmem_shared>> -> memref<32x128xf32, #tpu.memory_space<vmem_shared>>
    %dma_start3A_107 = arith.constant 0 : i32
    %dma_start3A_108 = tpu.memref_slice %arg17[%add3A_104, %dma_start3A_107] : memref<8192x128xf32, #tpu.memory_space<vmem_shared>> -> memref<32x128xf32, #tpu.memory_space<vmem_shared>>
    tpu.enqueue_dma source(%arg9 : memref<32x128xf32, #tpu.memory_space<vmem>>) target(%dma_start3A_108 : memref<32x128xf32, #tpu.memory_space<vmem_shared>>) target_semaphore(%arg16 : memref<!tpu.dma_semaphore, #tpu.memory_space<semaphore_mem>>)
    %add3A_109 = arith.constant 192 : i32
    %add3A_110 = arith.addi %add3A_37, %add3A_109 : i32
    %dma_start3A_111 = arith.constant 0 : i32
    %dma_start3A_112 = tpu.memref_slice %arg17[%add3A_110, %dma_start3A_111] : memref<8192x128xf32, #tpu.memory_space<vmem_shared>> -> memref<32x128xf32, #tpu.memory_space<vmem_shared>>
    %dma_start3A_113 = arith.constant 0 : i32
    %dma_start3A_114 = tpu.memref_slice %arg17[%add3A_110, %dma_start3A_113] : memref<8192x128xf32, #tpu.memory_space<vmem_shared>> -> memref<32x128xf32, #tpu.memory_space<vmem_shared>>
    tpu.enqueue_dma source(%arg9 : memref<32x128xf32, #tpu.memory_space<vmem>>) target(%dma_start3A_114 : memref<32x128xf32, #tpu.memory_space<vmem_shared>>) target_semaphore(%arg16 : memref<!tpu.dma_semaphore, #tpu.memory_space<semaphore_mem>>)
    %add3A_115 = arith.constant 224 : i32
    %add3A_116 = arith.addi %add3A_37, %add3A_115 : i32
    %dma_start3A_117 = arith.constant 0 : i32
    %dma_start3A_118 = tpu.memref_slice %arg17[%add3A_116, %dma_start3A_117] : memref<8192x128xf32, #tpu.memory_space<vmem_shared>> -> memref<32x128xf32, #tpu.memory_space<vmem_shared>>
    %dma_start3A_119 = arith.constant 0 : i32
    %dma_start3A_120 = tpu.memref_slice %arg17[%add3A_116, %dma_start3A_119] : memref<8192x128xf32, #tpu.memory_space<vmem_shared>> -> memref<32x128xf32, #tpu.memory_space<vmem_shared>>
    tpu.enqueue_dma source(%arg9 : memref<32x128xf32, #tpu.memory_space<vmem>>) target(%dma_start3A_120 : memref<32x128xf32, #tpu.memory_space<vmem_shared>>) target_semaphore(%arg16 : memref<!tpu.dma_semaphore, #tpu.memory_space<semaphore_mem>>)
    %add3A_121 = arith.constant 256 : i32
    %add3A_122 = arith.addi %add3A_37, %add3A_121 : i32
    %dma_start3A_123 = arith.constant 0 : i32
    %dma_start3A_124 = tpu.memref_slice %arg17[%add3A_122, %dma_start3A_123] : memref<8192x128xf32, #tpu.memory_space<vmem_shared>> -> memref<32x128xf32, #tpu.memory_space<vmem_shared>>
    %dma_start3A_125 = arith.constant 0 : i32
    %dma_start3A_126 = tpu.memref_slice %arg17[%add3A_122, %dma_start3A_125] : memref<8192x128xf32, #tpu.memory_space<vmem_shared>> -> memref<32x128xf32, #tpu.memory_space<vmem_shared>>
    tpu.enqueue_dma source(%arg9 : memref<32x128xf32, #tpu.memory_space<vmem>>) target(%dma_start3A_126 : memref<32x128xf32, #tpu.memory_space<vmem_shared>>) target_semaphore(%arg16 : memref<!tpu.dma_semaphore, #tpu.memory_space<semaphore_mem>>)
    %add3A_127 = arith.constant 288 : i32
    %add3A_128 = arith.addi %add3A_37, %add3A_127 : i32
    %dma_start3A_129 = arith.constant 0 : i32
    %dma_start3A_130 = tpu.memref_slice %arg17[%add3A_128, %dma_start3A_129] : memref<8192x128xf32, #tpu.memory_space<vmem_shared>> -> memref<32x128xf32, #tpu.memory_space<vmem_shared>>
    %dma_start3A_131 = arith.constant 0 : i32
    %dma_start3A_132 = tpu.memref_slice %arg17[%add3A_128, %dma_start3A_131] : memref<8192x128xf32, #tpu.memory_space<vmem_shared>> -> memref<32x128xf32, #tpu.memory_space<vmem_shared>>
    tpu.enqueue_dma source(%arg9 : memref<32x128xf32, #tpu.memory_space<vmem>>) target(%dma_start3A_132 : memref<32x128xf32, #tpu.memory_space<vmem_shared>>) target_semaphore(%arg16 : memref<!tpu.dma_semaphore, #tpu.memory_space<semaphore_mem>>)
    %add3A_133 = arith.constant 320 : i32
    %add3A_134 = arith.addi %add3A_37, %add3A_133 : i32
    %dma_start3A_135 = arith.constant 0 : i32
    %dma_start3A_136 = tpu.memref_slice %arg17[%add3A_134, %dma_start3A_135] : memref<8192x128xf32, #tpu.memory_space<vmem_shared>> -> memref<32x128xf32, #tpu.memory_space<vmem_shared>>
    %dma_start3A_137 = arith.constant 0 : i32
    %dma_start3A_138 = tpu.memref_slice %arg17[%add3A_134, %dma_start3A_137] : memref<8192x128xf32, #tpu.memory_space<vmem_shared>> -> memref<32x128xf32, #tpu.memory_space<vmem_shared>>
    tpu.enqueue_dma source(%arg9 : memref<32x128xf32, #tpu.memory_space<vmem>>) target(%dma_start3A_138 : memref<32x128xf32, #tpu.memory_space<vmem_shared>>) target_semaphore(%arg16 : memref<!tpu.dma_semaphore, #tpu.memory_space<semaphore_mem>>)
    %add3A_139 = arith.constant 352 : i32
    %add3A_140 = arith.addi %add3A_37, %add3A_139 : i32
    %dma_start3A_141 = arith.constant 0 : i32
    %dma_start3A_142 = tpu.memref_slice %arg17[%add3A_140, %dma_start3A_141] : memref<8192x128xf32, #tpu.memory_space<vmem_shared>> -> memref<32x128xf32, #tpu.memory_space<vmem_shared>>
    %dma_start3A_143 = arith.constant 0 : i32
    %dma_start3A_144 = tpu.memref_slice %arg17[%add3A_140, %dma_start3A_143] : memref<8192x128xf32, #tpu.memory_space<vmem_shared>> -> memref<32x128xf32, #tpu.memory_space<vmem_shared>>
    tpu.enqueue_dma source(%arg9 : memref<32x128xf32, #tpu.memory_space<vmem>>) target(%dma_start3A_144 : memref<32x128xf32, #tpu.memory_space<vmem_shared>>) target_semaphore(%arg16 : memref<!tpu.dma_semaphore, #tpu.memory_space<semaphore_mem>>)
    %add3A_145 = arith.constant 384 : i32
    %add3A_146 = arith.addi %add3A_37, %add3A_145 : i32
    %dma_start3A_147 = arith.constant 0 : i32
    %dma_start3A_148 = tpu.memref_slice %arg17[%add3A_146, %dma_start3A_147] : memref<8192x128xf32, #tpu.memory_space<vmem_shared>> -> memref<32x128xf32, #tpu.memory_space<vmem_shared>>
    %dma_start3A_149 = arith.constant 0 : i32
    %dma_start3A_150 = tpu.memref_slice %arg17[%add3A_146, %dma_start3A_149] : memref<8192x128xf32, #tpu.memory_space<vmem_shared>> -> memref<32x128xf32, #tpu.memory_space<vmem_shared>>
    tpu.enqueue_dma source(%arg9 : memref<32x128xf32, #tpu.memory_space<vmem>>) target(%dma_start3A_150 : memref<32x128xf32, #tpu.memory_space<vmem_shared>>) target_semaphore(%arg16 : memref<!tpu.dma_semaphore, #tpu.memory_space<semaphore_mem>>)
    %add3A_151 = arith.constant 416 : i32
    %add3A_152 = arith.addi %add3A_37, %add3A_151 : i32
    %dma_start3A_153 = arith.constant 0 : i32
    %dma_start3A_154 = tpu.memref_slice %arg17[%add3A_152, %dma_start3A_153] : memref<8192x128xf32, #tpu.memory_space<vmem_shared>> -> memref<32x128xf32, #tpu.memory_space<vmem_shared>>
    %dma_start3A_155 = arith.constant 0 : i32
    %dma_start3A_156 = tpu.memref_slice %arg17[%add3A_152, %dma_start3A_155] : memref<8192x128xf32, #tpu.memory_space<vmem_shared>> -> memref<32x128xf32, #tpu.memory_space<vmem_shared>>
    tpu.enqueue_dma source(%arg9 : memref<32x128xf32, #tpu.memory_space<vmem>>) target(%dma_start3A_156 : memref<32x128xf32, #tpu.memory_space<vmem_shared>>) target_semaphore(%arg16 : memref<!tpu.dma_semaphore, #tpu.memory_space<semaphore_mem>>)
    %add3A_157 = arith.constant 448 : i32
    %add3A_158 = arith.addi %add3A_37, %add3A_157 : i32
    %dma_start3A_159 = arith.constant 0 : i32
    %dma_start3A_160 = tpu.memref_slice %arg17[%add3A_158, %dma_start3A_159] : memref<8192x128xf32, #tpu.memory_space<vmem_shared>> -> memref<32x128xf32, #tpu.memory_space<vmem_shared>>
    %dma_start3A_161 = arith.constant 0 : i32
    %dma_start3A_162 = tpu.memref_slice %arg17[%add3A_158, %dma_start3A_161] : memref<8192x128xf32, #tpu.memory_space<vmem_shared>> -> memref<32x128xf32, #tpu.memory_space<vmem_shared>>
    tpu.enqueue_dma source(%arg9 : memref<32x128xf32, #tpu.memory_space<vmem>>) target(%dma_start3A_162 : memref<32x128xf32, #tpu.memory_space<vmem_shared>>) target_semaphore(%arg16 : memref<!tpu.dma_semaphore, #tpu.memory_space<semaphore_mem>>)
    %add3A_163 = arith.constant 480 : i32
    %add3A_164 = arith.addi %add3A_37, %add3A_163 : i32
    %dma_start3A_165 = arith.constant 0 : i32
    %dma_start3A_166 = tpu.memref_slice %arg17[%add3A_164, %dma_start3A_165] : memref<8192x128xf32, #tpu.memory_space<vmem_shared>> -> memref<32x128xf32, #tpu.memory_space<vmem_shared>>
    %dma_start3A_167 = arith.constant 0 : i32
    %dma_start3A_168 = tpu.memref_slice %arg17[%add3A_164, %dma_start3A_167] : memref<8192x128xf32, #tpu.memory_space<vmem_shared>> -> memref<32x128xf32, #tpu.memory_space<vmem_shared>>
    tpu.enqueue_dma source(%arg9 : memref<32x128xf32, #tpu.memory_space<vmem>>) target(%dma_start3A_168 : memref<32x128xf32, #tpu.memory_space<vmem_shared>>) target_semaphore(%arg16 : memref<!tpu.dma_semaphore, #tpu.memory_space<semaphore_mem>>)
    %dma_wait3A = arith.constant 0 : i32
    %dma_wait3A_169 = tpu.memref_slice %arg3[%add3A_30, %mul3A_62, %dma_wait3A] : memref<16x32x128xi32, #tpu.memory_space<hbm>> -> memref<1x16x128xi32, #tpu.memory_space<hbm>>
    %dma_wait3A_170 = tpu.memref_squeeze %dma_wait3A_169 : memref<1x16x128xi32, #tpu.memory_space<hbm>> -> memref<16x128xi32, #tpu.memory_space<hbm>>
    %dma_wait3A_171 = arith.constant 0 : i32
    %dma_wait3A_172 = tpu.memref_slice %arg3[%add3A_30, %mul3A_62, %dma_wait3A_171] : memref<16x32x128xi32, #tpu.memory_space<hbm>> -> memref<1x16x128xi32, #tpu.memory_space<hbm>>
    %dma_wait3A_173 = tpu.memref_squeeze %dma_wait3A_172 : memref<1x16x128xi32, #tpu.memory_space<hbm>> -> memref<16x128xi32, #tpu.memory_space<hbm>>
    tpu.wait_dma2 semaphore(%arg14 : memref<!tpu.dma_semaphore, #tpu.memory_space<semaphore_mem>>) src(%dma_wait3A_173 : memref<16x128xi32, #tpu.memory_space<hbm>>) dst(%arg8 : memref<16x128xi32, #tpu.memory_space<vmem>>)
    %scan3A_174 = arith.constant 0 : i32
    %scan3A_175 = arith.constant 16 : i32
    %scan3A_176 = arith.addi %scan3A_174, %scan3A_175 : i32
    %scan3A_177 = arith.constant 1 : i32
    scf.for %scan3A_670 = %scan3A_174 to %scan3A_176 step %scan3A_177  : i32 {
      %mul3A_671 = arith.constant 1 : i32
      %mul3A_672 = arith.muli %scan3A_670, %mul3A_671 : i32
      %add3A_673 = arith.constant 0 : i32
      %add3A_674 = arith.addi %add3A_673, %mul3A_672 : i32
      %get3A = arith.index_cast %add3A_674 : i32 to index
      %get3A_675 = arith.constant 0 : index
      %get3A_676 = tpu.vector_load %arg8[%get3A, %get3A_675] {strides = array<i32>} : memref<16x128xi32, #tpu.memory_space<vmem>>, vector<1x16xi32>,
      %get3A_677 = vector.shape_cast %get3A_676 : vector<1x16xi32> to vector<16xi32>
      %add3A_678 = vector.broadcast %mul3A_34 : i32 to vector<16xi32>
      %add3A_679 = arith.addi %get3A_677, %add3A_678 : vector<16xi32>
      %swap3A = arith.index_cast %add3A_674 : i32 to index
      %swap3A_680 = arith.constant 0 : index
      %swap3A_681 = tpu.vector_load %arg8[%swap3A, %swap3A_680] {strides = array<i32>} : memref<16x128xi32, #tpu.memory_space<vmem>>, vector<1x16xi32>,
      %swap3A_682 = vector.shape_cast %swap3A_681 : vector<1x16xi32> to vector<16xi32>
      %swap3A_683 = vector.shape_cast %add3A_679 : vector<16xi32> to vector<1x16xi32>
      tpu.vector_store %arg8[%swap3A, %swap3A_680], %swap3A_683 {strides = array<i32>} : memref<16x128xi32, #tpu.memory_space<vmem>>, vector<1x16xi32>,
      %get3A_684 = arith.index_cast %add3A_674 : i32 to index
      %get3A_685 = arith.constant 16 : index
      %get3A_686 = tpu.vector_load %arg8[%get3A_684, %get3A_685] {strides = array<i32>} : memref<16x128xi32, #tpu.memory_space<vmem>>, vector<1x16xi32>,
      %get3A_687 = vector.shape_cast %get3A_686 : vector<1x16xi32> to vector<16xi32>
      %add3A_688 = vector.broadcast %mul3A_34 : i32 to vector<16xi32>
      %add3A_689 = arith.addi %get3A_687, %add3A_688 : vector<16xi32>
      %swap3A_690 = arith.index_cast %add3A_674 : i32 to index
      %swap3A_691 = arith.constant 16 : index
      %swap3A_692 = tpu.vector_load %arg8[%swap3A_690, %swap3A_691] {strides = array<i32>} : memref<16x128xi32, #tpu.memory_space<vmem>>, vector<1x16xi32>,
      %swap3A_693 = vector.shape_cast %swap3A_692 : vector<1x16xi32> to vector<16xi32>
      %swap3A_694 = vector.shape_cast %add3A_689 : vector<16xi32> to vector<1x16xi32>
      tpu.vector_store %arg8[%swap3A_690, %swap3A_691], %swap3A_694 {strides = array<i32>} : memref<16x128xi32, #tpu.memory_space<vmem>>, vector<1x16xi32>,
      %get3A_695 = arith.index_cast %add3A_674 : i32 to index
      %get3A_696 = arith.constant 32 : index
      %get3A_697 = tpu.vector_load %arg8[%get3A_695, %get3A_696] {strides = array<i32>} : memref<16x128xi32, #tpu.memory_space<vmem>>, vector<1x16xi32>,
      %get3A_698 = vector.shape_cast %get3A_697 : vector<1x16xi32> to vector<16xi32>
      %add3A_699 = vector.broadcast %mul3A_34 : i32 to vector<16xi32>
      %add3A_700 = arith.addi %get3A_698, %add3A_699 : vector<16xi32>
      %swap3A_701 = arith.index_cast %add3A_674 : i32 to index
      %swap3A_702 = arith.constant 32 : index
      %swap3A_703 = tpu.vector_load %arg8[%swap3A_701, %swap3A_702] {strides = array<i32>} : memref<16x128xi32, #tpu.memory_space<vmem>>, vector<1x16xi32>,
      %swap3A_704 = vector.shape_cast %swap3A_703 : vector<1x16xi32> to vector<16xi32>
      %swap3A_705 = vector.shape_cast %add3A_700 : vector<16xi32> to vector<1x16xi32>
      tpu.vector_store %arg8[%swap3A_701, %swap3A_702], %swap3A_705 {strides = array<i32>} : memref<16x128xi32, #tpu.memory_space<vmem>>, vector<1x16xi32>,
      %get3A_706 = arith.index_cast %add3A_674 : i32 to index
      %get3A_707 = arith.constant 48 : index
      %get3A_708 = tpu.vector_load %arg8[%get3A_706, %get3A_707] {strides = array<i32>} : memref<16x128xi32, #tpu.memory_space<vmem>>, vector<1x16xi32>,
      %get3A_709 = vector.shape_cast %get3A_708 : vector<1x16xi32> to vector<16xi32>
      %add3A_710 = vector.broadcast %mul3A_34 : i32 to vector<16xi32>
      %add3A_711 = arith.addi %get3A_709, %add3A_710 : vector<16xi32>
      %swap3A_712 = arith.index_cast %add3A_674 : i32 to index
      %swap3A_713 = arith.constant 48 : index
      %swap3A_714 = tpu.vector_load %arg8[%swap3A_712, %swap3A_713] {strides = array<i32>} : memref<16x128xi32, #tpu.memory_space<vmem>>, vector<1x16xi32>,
      %swap3A_715 = vector.shape_cast %swap3A_714 : vector<1x16xi32> to vector<16xi32>
      %swap3A_716 = vector.shape_cast %add3A_711 : vector<16xi32> to vector<1x16xi32>
      tpu.vector_store %arg8[%swap3A_712, %swap3A_713], %swap3A_716 {strides = array<i32>} : memref<16x128xi32, #tpu.memory_space<vmem>>, vector<1x16xi32>,
      %get3A_717 = arith.index_cast %add3A_674 : i32 to index
      %get3A_718 = arith.constant 64 : index
      %get3A_719 = tpu.vector_load %arg8[%get3A_717, %get3A_718] {strides = array<i32>} : memref<16x128xi32, #tpu.memory_space<vmem>>, vector<1x16xi32>,
      %get3A_720 = vector.shape_cast %get3A_719 : vector<1x16xi32> to vector<16xi32>
      %add3A_721 = vector.broadcast %mul3A_34 : i32 to vector<16xi32>
      %add3A_722 = arith.addi %get3A_720, %add3A_721 : vector<16xi32>
      %swap3A_723 = arith.index_cast %add3A_674 : i32 to index
      %swap3A_724 = arith.constant 64 : index
      %swap3A_725 = tpu.vector_load %arg8[%swap3A_723, %swap3A_724] {strides = array<i32>} : memref<16x128xi32, #tpu.memory_space<vmem>>, vector<1x16xi32>,
      %swap3A_726 = vector.shape_cast %swap3A_725 : vector<1x16xi32> to vector<16xi32>
      %swap3A_727 = vector.shape_cast %add3A_722 : vector<16xi32> to vector<1x16xi32>
      tpu.vector_store %arg8[%swap3A_723, %swap3A_724], %swap3A_727 {strides = array<i32>} : memref<16x128xi32, #tpu.memory_space<vmem>>, vector<1x16xi32>,
      %get3A_728 = arith.index_cast %add3A_674 : i32 to index
      %get3A_729 = arith.constant 80 : index
      %get3A_730 = tpu.vector_load %arg8[%get3A_728, %get3A_729] {strides = array<i32>} : memref<16x128xi32, #tpu.memory_space<vmem>>, vector<1x16xi32>,
      %get3A_731 = vector.shape_cast %get3A_730 : vector<1x16xi32> to vector<16xi32>
      %add3A_732 = vector.broadcast %mul3A_34 : i32 to vector<16xi32>
      %add3A_733 = arith.addi %get3A_731, %add3A_732 : vector<16xi32>
      %swap3A_734 = arith.index_cast %add3A_674 : i32 to index
      %swap3A_735 = arith.constant 80 : index
      %swap3A_736 = tpu.vector_load %arg8[%swap3A_734, %swap3A_735] {strides = array<i32>} : memref<16x128xi32, #tpu.memory_space<vmem>>, vector<1x16xi32>,
      %swap3A_737 = vector.shape_cast %swap3A_736 : vector<1x16xi32> to vector<16xi32>
      %swap3A_738 = vector.shape_cast %add3A_733 : vector<16xi32> to vector<1x16xi32>
      tpu.vector_store %arg8[%swap3A_734, %swap3A_735], %swap3A_738 {strides = array<i32>} : memref<16x128xi32, #tpu.memory_space<vmem>>, vector<1x16xi32>,
      %get3A_739 = arith.index_cast %add3A_674 : i32 to index
      %get3A_740 = arith.constant 96 : index
      %get3A_741 = tpu.vector_load %arg8[%get3A_739, %get3A_740] {strides = array<i32>} : memref<16x128xi32, #tpu.memory_space<vmem>>, vector<1x16xi32>,
      %get3A_742 = vector.shape_cast %get3A_741 : vector<1x16xi32> to vector<16xi32>
      %add3A_743 = vector.broadcast %mul3A_34 : i32 to vector<16xi32>
      %add3A_744 = arith.addi %get3A_742, %add3A_743 : vector<16xi32>
      %swap3A_745 = arith.index_cast %add3A_674 : i32 to index
      %swap3A_746 = arith.constant 96 : index
      %swap3A_747 = tpu.vector_load %arg8[%swap3A_745, %swap3A_746] {strides = array<i32>} : memref<16x128xi32, #tpu.memory_space<vmem>>, vector<1x16xi32>,
      %swap3A_748 = vector.shape_cast %swap3A_747 : vector<1x16xi32> to vector<16xi32>
      %swap3A_749 = vector.shape_cast %add3A_744 : vector<16xi32> to vector<1x16xi32>
      tpu.vector_store %arg8[%swap3A_745, %swap3A_746], %swap3A_749 {strides = array<i32>} : memref<16x128xi32, #tpu.memory_space<vmem>>, vector<1x16xi32>,
      %get3A_750 = arith.index_cast %add3A_674 : i32 to index
      %get3A_751 = arith.constant 112 : index
      %get3A_752 = tpu.vector_load %arg8[%get3A_750, %get3A_751] {strides = array<i32>} : memref<16x128xi32, #tpu.memory_space<vmem>>, vector<1x16xi32>,
      %get3A_753 = vector.shape_cast %get3A_752 : vector<1x16xi32> to vector<16xi32>
      %add3A_754 = vector.broadcast %mul3A_34 : i32 to vector<16xi32>
      %add3A_755 = arith.addi %get3A_753, %add3A_754 : vector<16xi32>
      %swap3A_756 = arith.index_cast %add3A_674 : i32 to index
      %swap3A_757 = arith.constant 112 : index
      %swap3A_758 = tpu.vector_load %arg8[%swap3A_756, %swap3A_757] {strides = array<i32>} : memref<16x128xi32, #tpu.memory_space<vmem>>, vector<1x16xi32>,
      %swap3A_759 = vector.shape_cast %swap3A_758 : vector<1x16xi32> to vector<16xi32>
      %swap3A_760 = vector.shape_cast %add3A_755 : vector<16xi32> to vector<1x16xi32>
      tpu.vector_store %arg8[%swap3A_756, %swap3A_757], %swap3A_760 {strides = array<i32>} : memref<16x128xi32, #tpu.memory_space<vmem>>, vector<1x16xi32>,
    }
    %scan3A_178 = arith.constant 16 : i32
    %dma_wait3A_179 = arith.constant 0 : i32
    %dma_wait3A_180 = tpu.memref_slice %arg17[%add3A_74, %dma_wait3A_179] : memref<8192x128xf32, #tpu.memory_space<vmem_shared>> -> memref<32x128xf32, #tpu.memory_space<vmem_shared>>
    %dma_wait3A_181 = arith.constant 0 : i32
    %dma_wait3A_182 = tpu.memref_slice %arg17[%add3A_74, %dma_wait3A_181] : memref<8192x128xf32, #tpu.memory_space<vmem_shared>> -> memref<32x128xf32, #tpu.memory_space<vmem_shared>>
    tpu.wait_dma2 semaphore(%arg16 : memref<!tpu.dma_semaphore, #tpu.memory_space<semaphore_mem>>) src(%arg9 : memref<32x128xf32, #tpu.memory_space<vmem>>) dst(%dma_wait3A_182 : memref<32x128xf32, #tpu.memory_space<vmem_shared>>)
    %dma_wait3A_183 = arith.constant 0 : i32
    %dma_wait3A_184 = tpu.memref_slice %arg17[%add3A_80, %dma_wait3A_183] : memref<8192x128xf32, #tpu.memory_space<vmem_shared>> -> memref<32x128xf32, #tpu.memory_space<vmem_shared>>
    %dma_wait3A_185 = arith.constant 0 : i32
    %dma_wait3A_186 = tpu.memref_slice %arg17[%add3A_80, %dma_wait3A_185] : memref<8192x128xf32, #tpu.memory_space<vmem_shared>> -> memref<32x128xf32, #tpu.memory_space<vmem_shared>>
    tpu.wait_dma2 semaphore(%arg16 : memref<!tpu.dma_semaphore, #tpu.memory_space<semaphore_mem>>) src(%arg9 : memref<32x128xf32, #tpu.memory_space<vmem>>) dst(%dma_wait3A_186 : memref<32x128xf32, #tpu.memory_space<vmem_shared>>)
    %dma_wait3A_187 = arith.constant 0 : i32
    %dma_wait3A_188 = tpu.memref_slice %arg17[%add3A_86, %dma_wait3A_187] : memref<8192x128xf32, #tpu.memory_space<vmem_shared>> -> memref<32x128xf32, #tpu.memory_space<vmem_shared>>
    %dma_wait3A_189 = arith.constant 0 : i32
    %dma_wait3A_190 = tpu.memref_slice %arg17[%add3A_86, %dma_wait3A_189] : memref<8192x128xf32, #tpu.memory_space<vmem_shared>> -> memref<32x128xf32, #tpu.memory_space<vmem_shared>>
    tpu.wait_dma2 semaphore(%arg16 : memref<!tpu.dma_semaphore, #tpu.memory_space<semaphore_mem>>) src(%arg9 : memref<32x128xf32, #tpu.memory_space<vmem>>) dst(%dma_wait3A_190 : memref<32x128xf32, #tpu.memory_space<vmem_shared>>)
    %dma_wait3A_191 = arith.constant 0 : i32
    %dma_wait3A_192 = tpu.memref_slice %arg17[%add3A_92, %dma_wait3A_191] : memref<8192x128xf32, #tpu.memory_space<vmem_shared>> -> memref<32x128xf32, #tpu.memory_space<vmem_shared>>
    %dma_wait3A_193 = arith.constant 0 : i32
    %dma_wait3A_194 = tpu.memref_slice %arg17[%add3A_92, %dma_wait3A_193] : memref<8192x128xf32, #tpu.memory_space<vmem_shared>> -> memref<32x128xf32, #tpu.memory_space<vmem_shared>>
    tpu.wait_dma2 semaphore(%arg16 : memref<!tpu.dma_semaphore, #tpu.memory_space<semaphore_mem>>) src(%arg9 : memref<32x128xf32, #tpu.memory_space<vmem>>) dst(%dma_wait3A_194 : memref<32x128xf32, #tpu.memory_space<vmem_shared>>)
    %dma_wait3A_195 = arith.constant 0 : i32
    %dma_wait3A_196 = tpu.memref_slice %arg17[%add3A_98, %dma_wait3A_195] : memref<8192x128xf32, #tpu.memory_space<vmem_shared>> -> memref<32x128xf32, #tpu.memory_space<vmem_shared>>
    %dma_wait3A_197 = arith.constant 0 : i32
    %dma_wait3A_198 = tpu.memref_slice %arg17[%add3A_98, %dma_wait3A_197] : memref<8192x128xf32, #tpu.memory_space<vmem_shared>> -> memref<32x128xf32, #tpu.memory_space<vmem_shared>>
    tpu.wait_dma2 semaphore(%arg16 : memref<!tpu.dma_semaphore, #tpu.memory_space<semaphore_mem>>) src(%arg9 : memref<32x128xf32, #tpu.memory_space<vmem>>) dst(%dma_wait3A_198 : memref<32x128xf32, #tpu.memory_space<vmem_shared>>)
    %dma_wait3A_199 = arith.constant 0 : i32
    %dma_wait3A_200 = tpu.memref_slice %arg17[%add3A_104, %dma_wait3A_199] : memref<8192x128xf32, #tpu.memory_space<vmem_shared>> -> memref<32x128xf32, #tpu.memory_space<vmem_shared>>
    %dma_wait3A_201 = arith.constant 0 : i32
    %dma_wait3A_202 = tpu.memref_slice %arg17[%add3A_104, %dma_wait3A_201] : memref<8192x128xf32, #tpu.memory_space<vmem_shared>> -> memref<32x128xf32, #tpu.memory_space<vmem_shared>>
    tpu.wait_dma2 semaphore(%arg16 : memref<!tpu.dma_semaphore, #tpu.memory_space<semaphore_mem>>) src(%arg9 : memref<32x128xf32, #tpu.memory_space<vmem>>) dst(%dma_wait3A_202 : memref<32x128xf32, #tpu.memory_space<vmem_shared>>)
    %dma_wait3A_203 = arith.constant 0 : i32
    %dma_wait3A_204 = tpu.memref_slice %arg17[%add3A_110, %dma_wait3A_203] : memref<8192x128xf32, #tpu.memory_space<vmem_shared>> -> memref<32x128xf32, #tpu.memory_space<vmem_shared>>
    %dma_wait3A_205 = arith.constant 0 : i32
    %dma_wait3A_206 = tpu.memref_slice %arg17[%add3A_110, %dma_wait3A_205] : memref<8192x128xf32, #tpu.memory_space<vmem_shared>> -> memref<32x128xf32, #tpu.memory_space<vmem_shared>>
    tpu.wait_dma2 semaphore(%arg16 : memref<!tpu.dma_semaphore, #tpu.memory_space<semaphore_mem>>) src(%arg9 : memref<32x128xf32, #tpu.memory_space<vmem>>) dst(%dma_wait3A_206 : memref<32x128xf32, #tpu.memory_space<vmem_shared>>)
    %dma_wait3A_207 = arith.constant 0 : i32
    %dma_wait3A_208 = tpu.memref_slice %arg17[%add3A_116, %dma_wait3A_207] : memref<8192x128xf32, #tpu.memory_space<vmem_shared>> -> memref<32x128xf32, #tpu.memory_space<vmem_shared>>
    %dma_wait3A_209 = arith.constant 0 : i32
    %dma_wait3A_210 = tpu.memref_slice %arg17[%add3A_116, %dma_wait3A_209] : memref<8192x128xf32, #tpu.memory_space<vmem_shared>> -> memref<32x128xf32, #tpu.memory_space<vmem_shared>>
    tpu.wait_dma2 semaphore(%arg16 : memref<!tpu.dma_semaphore, #tpu.memory_space<semaphore_mem>>) src(%arg9 : memref<32x128xf32, #tpu.memory_space<vmem>>) dst(%dma_wait3A_210 : memref<32x128xf32, #tpu.memory_space<vmem_shared>>)
    %dma_wait3A_211 = arith.constant 0 : i32
    %dma_wait3A_212 = tpu.memref_slice %arg17[%add3A_122, %dma_wait3A_211] : memref<8192x128xf32, #tpu.memory_space<vmem_shared>> -> memref<32x128xf32, #tpu.memory_space<vmem_shared>>
    %dma_wait3A_213 = arith.constant 0 : i32
    %dma_wait3A_214 = tpu.memref_slice %arg17[%add3A_122, %dma_wait3A_213] : memref<8192x128xf32, #tpu.memory_space<vmem_shared>> -> memref<32x128xf32, #tpu.memory_space<vmem_shared>>
    tpu.wait_dma2 semaphore(%arg16 : memref<!tpu.dma_semaphore, #tpu.memory_space<semaphore_mem>>) src(%arg9 : memref<32x128xf32, #tpu.memory_space<vmem>>) dst(%dma_wait3A_214 : memref<32x128xf32, #tpu.memory_space<vmem_shared>>)
    %dma_wait3A_215 = arith.constant 0 : i32
    %dma_wait3A_216 = tpu.memref_slice %arg17[%add3A_128, %dma_wait3A_215] : memref<8192x128xf32, #tpu.memory_space<vmem_shared>> -> memref<32x128xf32, #tpu.memory_space<vmem_shared>>
    %dma_wait3A_217 = arith.constant 0 : i32
    %dma_wait3A_218 = tpu.memref_slice %arg17[%add3A_128, %dma_wait3A_217] : memref<8192x128xf32, #tpu.memory_space<vmem_shared>> -> memref<32x128xf32, #tpu.memory_space<vmem_shared>>
    tpu.wait_dma2 semaphore(%arg16 : memref<!tpu.dma_semaphore, #tpu.memory_space<semaphore_mem>>) src(%arg9 : memref<32x128xf32, #tpu.memory_space<vmem>>) dst(%dma_wait3A_218 : memref<32x128xf32, #tpu.memory_space<vmem_shared>>)
    %dma_wait3A_219 = arith.constant 0 : i32
    %dma_wait3A_220 = tpu.memref_slice %arg17[%add3A_134, %dma_wait3A_219] : memref<8192x128xf32, #tpu.memory_space<vmem_shared>> -> memref<32x128xf32, #tpu.memory_space<vmem_shared>>
    %dma_wait3A_221 = arith.constant 0 : i32
    %dma_wait3A_222 = tpu.memref_slice %arg17[%add3A_134, %dma_wait3A_221] : memref<8192x128xf32, #tpu.memory_space<vmem_shared>> -> memref<32x128xf32, #tpu.memory_space<vmem_shared>>
    tpu.wait_dma2 semaphore(%arg16 : memref<!tpu.dma_semaphore, #tpu.memory_space<semaphore_mem>>) src(%arg9 : memref<32x128xf32, #tpu.memory_space<vmem>>) dst(%dma_wait3A_222 : memref<32x128xf32, #tpu.memory_space<vmem_shared>>)
    %dma_wait3A_223 = arith.constant 0 : i32
    %dma_wait3A_224 = tpu.memref_slice %arg17[%add3A_140, %dma_wait3A_223] : memref<8192x128xf32, #tpu.memory_space<vmem_shared>> -> memref<32x128xf32, #tpu.memory_space<vmem_shared>>
    %dma_wait3A_225 = arith.constant 0 : i32
    %dma_wait3A_226 = tpu.memref_slice %arg17[%add3A_140, %dma_wait3A_225] : memref<8192x128xf32, #tpu.memory_space<vmem_shared>> -> memref<32x128xf32, #tpu.memory_space<vmem_shared>>
    tpu.wait_dma2 semaphore(%arg16 : memref<!tpu.dma_semaphore, #tpu.memory_space<semaphore_mem>>) src(%arg9 : memref<32x128xf32, #tpu.memory_space<vmem>>) dst(%dma_wait3A_226 : memref<32x128xf32, #tpu.memory_space<vmem_shared>>)
    %dma_wait3A_227 = arith.constant 0 : i32
    %dma_wait3A_228 = tpu.memref_slice %arg17[%add3A_146, %dma_wait3A_227] : memref<8192x128xf32, #tpu.memory_space<vmem_shared>> -> memref<32x128xf32, #tpu.memory_space<vmem_shared>>
    %dma_wait3A_229 = arith.constant 0 : i32
    %dma_wait3A_230 = tpu.memref_slice %arg17[%add3A_146, %dma_wait3A_229] : memref<8192x128xf32, #tpu.memory_space<vmem_shared>> -> memref<32x128xf32, #tpu.memory_space<vmem_shared>>
    tpu.wait_dma2 semaphore(%arg16 : memref<!tpu.dma_semaphore, #tpu.memory_space<semaphore_mem>>) src(%arg9 : memref<32x128xf32, #tpu.memory_space<vmem>>) dst(%dma_wait3A_230 : memref<32x128xf32, #tpu.memory_space<vmem_shared>>)
    %dma_wait3A_231 = arith.constant 0 : i32
    %dma_wait3A_232 = tpu.memref_slice %arg17[%add3A_152, %dma_wait3A_231] : memref<8192x128xf32, #tpu.memory_space<vmem_shared>> -> memref<32x128xf32, #tpu.memory_space<vmem_shared>>
    %dma_wait3A_233 = arith.constant 0 : i32
    %dma_wait3A_234 = tpu.memref_slice %arg17[%add3A_152, %dma_wait3A_233] : memref<8192x128xf32, #tpu.memory_space<vmem_shared>> -> memref<32x128xf32, #tpu.memory_space<vmem_shared>>
    tpu.wait_dma2 semaphore(%arg16 : memref<!tpu.dma_semaphore, #tpu.memory_space<semaphore_mem>>) src(%arg9 : memref<32x128xf32, #tpu.memory_space<vmem>>) dst(%dma_wait3A_234 : memref<32x128xf32, #tpu.memory_space<vmem_shared>>)
    %dma_wait3A_235 = arith.constant 0 : i32
    %dma_wait3A_236 = tpu.memref_slice %arg17[%add3A_158, %dma_wait3A_235] : memref<8192x128xf32, #tpu.memory_space<vmem_shared>> -> memref<32x128xf32, #tpu.memory_space<vmem_shared>>
    %dma_wait3A_237 = arith.constant 0 : i32
    %dma_wait3A_238 = tpu.memref_slice %arg17[%add3A_158, %dma_wait3A_237] : memref<8192x128xf32, #tpu.memory_space<vmem_shared>> -> memref<32x128xf32, #tpu.memory_space<vmem_shared>>
    tpu.wait_dma2 semaphore(%arg16 : memref<!tpu.dma_semaphore, #tpu.memory_space<semaphore_mem>>) src(%arg9 : memref<32x128xf32, #tpu.memory_space<vmem>>) dst(%dma_wait3A_238 : memref<32x128xf32, #tpu.memory_space<vmem_shared>>)
    %dma_wait3A_239 = arith.constant 0 : i32
    %dma_wait3A_240 = tpu.memref_slice %arg17[%add3A_164, %dma_wait3A_239] : memref<8192x128xf32, #tpu.memory_space<vmem_shared>> -> memref<32x128xf32, #tpu.memory_space<vmem_shared>>
    %dma_wait3A_241 = arith.constant 0 : i32
    %dma_wait3A_242 = tpu.memref_slice %arg17[%add3A_164, %dma_wait3A_241] : memref<8192x128xf32, #tpu.memory_space<vmem_shared>> -> memref<32x128xf32, #tpu.memory_space<vmem_shared>>
    tpu.wait_dma2 semaphore(%arg16 : memref<!tpu.dma_semaphore, #tpu.memory_space<semaphore_mem>>) src(%arg9 : memref<32x128xf32, #tpu.memory_space<vmem>>) dst(%dma_wait3A_242 : memref<32x128xf32, #tpu.memory_space<vmem_shared>>)
    %barrier3A = arith.constant 0 : index
    tpu.barrier barrier_id(%barrier3A)
    %dma_wait3A_243 = arith.constant 0 : i32
    %dma_wait3A_244 = tpu.memref_slice %arg2[%add3A_30, %add3A_39, %dma_wait3A_243] : memref<16x4096x128xf32, #tpu.memory_space<hbm>> -> memref<1x128x128xf32, #tpu.memory_space<hbm>>
    %dma_wait3A_245 = tpu.memref_squeeze %dma_wait3A_244 : memref<1x128x128xf32, #tpu.memory_space<hbm>> -> memref<128x128xf32, #tpu.memory_space<hbm>>
    %dma_wait3A_246 = arith.constant 0 : i32
    %dma_wait3A_247 = tpu.memref_slice %arg2[%add3A_30, %add3A_39, %dma_wait3A_246] : memref<16x4096x128xf32, #tpu.memory_space<hbm>> -> memref<1x128x128xf32, #tpu.memory_space<hbm>>
    %dma_wait3A_248 = tpu.memref_squeeze %dma_wait3A_247 : memref<1x128x128xf32, #tpu.memory_space<hbm>> -> memref<128x128xf32, #tpu.memory_space<hbm>>
    tpu.wait_dma2 semaphore(%arg10 : memref<!tpu.dma_semaphore, #tpu.memory_space<semaphore_mem>>) src(%dma_wait3A_248 : memref<128x128xf32, #tpu.memory_space<hbm>>) dst(%arg5 : memref<128x128xf32, #tpu.memory_space<vmem>>)
    %dma_start3A_249 = arith.constant 0 : i32
    %dma_start3A_250 = arith.constant 0 : i32
    %dma_start3A_251 = tpu.memref_slice %arg8[%dma_start3A_249, %dma_start3A_250] : memref<16x128xi32, #tpu.memory_space<vmem>> -> memref<1x128xi32, #tpu.memory_space<vmem>>
    %dma_start3A_252 = tpu.memref_squeeze %dma_start3A_251 : memref<1x128xi32, #tpu.memory_space<vmem>> -> memref<128xi32, #tpu.memory_space<vmem>>
    %dma_start3A_253 = arith.constant 0 : i32
    %dma_start3A_254 = arith.constant 0 : i32
    %dma_start3A_255 = tpu.memref_slice %arg17[%dma_start3A_253, %dma_start3A_254] : memref<8192x128xf32, #tpu.memory_space<vmem_shared>> -> memref<8192x128xf32, #tpu.memory_space<vmem_shared>>
    tpu.enqueue_indirect_dma source(%arg5 : memref<128x128xf32, #tpu.memory_space<vmem>>) target(%dma_start3A_255 : memref<8192x128xf32, #tpu.memory_space<vmem_shared>>) offsets(%dma_start3A_252 : memref<128xi32, #tpu.memory_space<vmem>>) semaphore(%arg13 : memref<!tpu.dma_semaphore, #tpu.memory_space<semaphore_mem>>) {add = true}
    %dma_wait3A_256 = arith.constant 0 : i32
    %dma_wait3A_257 = arith.constant 0 : i32
    %dma_wait3A_258 = tpu.memref_slice %arg8[%dma_wait3A_256, %dma_wait3A_257] : memref<16x128xi32, #tpu.memory_space<vmem>> -> memref<1x128xi32, #tpu.memory_space<vmem>>
    %dma_wait3A_259 = tpu.memref_squeeze %dma_wait3A_258 : memref<1x128xi32, #tpu.memory_space<vmem>> -> memref<128xi32, #tpu.memory_space<vmem>>
    %dma_wait3A_260 = arith.constant 0 : i32
    %dma_wait3A_261 = arith.constant 0 : i32
    %dma_wait3A_262 = tpu.memref_slice %arg17[%dma_wait3A_260, %dma_wait3A_261] : memref<8192x128xf32, #tpu.memory_space<vmem_shared>> -> memref<8192x128xf32, #tpu.memory_space<vmem_shared>>
    tpu.wait_indirect_dma semaphore(%arg13 : memref<!tpu.dma_semaphore, #tpu.memory_space<semaphore_mem>>) src(%arg5 : memref<128x128xf32, #tpu.memory_space<vmem>>) dst(%dma_wait3A_262 : memref<8192x128xf32, #tpu.memory_space<vmem_shared>>)
    %add3A_263 = arith.constant 384 : i32
    %add3A_264 = arith.addi %mul3A_32, %add3A_263 : i32
    %dma_start3A_265 = arith.constant 0 : i32
    %dma_start3A_266 = tpu.memref_slice %arg2[%add3A_30, %add3A_264, %dma_start3A_265] : memref<16x4096x128xf32, #tpu.memory_space<hbm>> -> memref<1x128x128xf32, #tpu.memory_space<hbm>>
    %dma_start3A_267 = tpu.memref_squeeze %dma_start3A_266 : memref<1x128x128xf32, #tpu.memory_space<hbm>> -> memref<128x128xf32, #tpu.memory_space<hbm>>
    %dma_start3A_268 = arith.constant 0 : i32
    %dma_start3A_269 = tpu.memref_slice %arg2[%add3A_30, %add3A_264, %dma_start3A_268] : memref<16x4096x128xf32, #tpu.memory_space<hbm>> -> memref<1x128x128xf32, #tpu.memory_space<hbm>>
    %dma_start3A_270 = tpu.memref_squeeze %dma_start3A_269 : memref<1x128x128xf32, #tpu.memory_space<hbm>> -> memref<128x128xf32, #tpu.memory_space<hbm>>
    tpu.enqueue_dma source(%dma_start3A_270 : memref<128x128xf32, #tpu.memory_space<hbm>>) target(%arg5 : memref<128x128xf32, #tpu.memory_space<vmem>>) target_semaphore(%arg10 : memref<!tpu.dma_semaphore, #tpu.memory_space<semaphore_mem>>)
    %dma_wait3A_271 = arith.constant 0 : i32
    %dma_wait3A_272 = tpu.memref_slice %arg2[%add3A_30, %add3A_46, %dma_wait3A_271] : memref<16x4096x128xf32, #tpu.memory_space<hbm>> -> memref<1x128x128xf32, #tpu.memory_space<hbm>>
    %dma_wait3A_273 = tpu.memref_squeeze %dma_wait3A_272 : memref<1x128x128xf32, #tpu.memory_space<hbm>> -> memref<128x128xf32, #tpu.memory_space<hbm>>
    %dma_wait3A_274 = arith.constant 0 : i32
    %dma_wait3A_275 = tpu.memref_slice %arg2[%add3A_30, %add3A_46, %dma_wait3A_274] : memref<16x4096x128xf32, #tpu.memory_space<hbm>> -> memref<1x128x128xf32, #tpu.memory_space<hbm>>
    %dma_wait3A_276 = tpu.memref_squeeze %dma_wait3A_275 : memref<1x128x128xf32, #tpu.memory_space<hbm>> -> memref<128x128xf32, #tpu.memory_space<hbm>>
    tpu.wait_dma2 semaphore(%arg11 : memref<!tpu.dma_semaphore, #tpu.memory_space<semaphore_mem>>) src(%dma_wait3A_276 : memref<128x128xf32, #tpu.memory_space<hbm>>) dst(%arg6 : memref<128x128xf32, #tpu.memory_space<vmem>>)
    %dma_start3A_277 = arith.constant 1 : i32
    %dma_start3A_278 = arith.constant 0 : i32
    %dma_start3A_279 = tpu.memref_slice %arg8[%dma_start3A_277, %dma_start3A_278] : memref<16x128xi32, #tpu.memory_space<vmem>> -> memref<1x128xi32, #tpu.memory_space<vmem>>
    %dma_start3A_280 = tpu.memref_squeeze %dma_start3A_279 : memref<1x128xi32, #tpu.memory_space<vmem>> -> memref<128xi32, #tpu.memory_space<vmem>>
    %dma_start3A_281 = arith.constant 0 : i32
    %dma_start3A_282 = arith.constant 0 : i32
    %dma_start3A_283 = tpu.memref_slice %arg17[%dma_start3A_281, %dma_start3A_282] : memref<8192x128xf32, #tpu.memory_space<vmem_shared>> -> memref<8192x128xf32, #tpu.memory_space<vmem_shared>>
    tpu.enqueue_indirect_dma source(%arg6 : memref<128x128xf32, #tpu.memory_space<vmem>>) target(%dma_start3A_283 : memref<8192x128xf32, #tpu.memory_space<vmem_shared>>) offsets(%dma_start3A_280 : memref<128xi32, #tpu.memory_space<vmem>>) semaphore(%arg13 : memref<!tpu.dma_semaphore, #tpu.memory_space<semaphore_mem>>) {add = true}
    %dma_wait3A_284 = arith.constant 1 : i32
    %dma_wait3A_285 = arith.constant 0 : i32
    %dma_wait3A_286 = tpu.memref_slice %arg8[%dma_wait3A_284, %dma_wait3A_285] : memref<16x128xi32, #tpu.memory_space<vmem>> -> memref<1x128xi32, #tpu.memory_space<vmem>>
    %dma_wait3A_287 = tpu.memref_squeeze %dma_wait3A_286 : memref<1x128xi32, #tpu.memory_space<vmem>> -> memref<128xi32, #tpu.memory_space<vmem>>
    %dma_wait3A_288 = arith.constant 0 : i32
    %dma_wait3A_289 = arith.constant 0 : i32
    %dma_wait3A_290 = tpu.memref_slice %arg17[%dma_wait3A_288, %dma_wait3A_289] : memref<8192x128xf32, #tpu.memory_space<vmem_shared>> -> memref<8192x128xf32, #tpu.memory_space<vmem_shared>>
    tpu.wait_indirect_dma semaphore(%arg13 : memref<!tpu.dma_semaphore, #tpu.memory_space<semaphore_mem>>) src(%arg6 : memref<128x128xf32, #tpu.memory_space<vmem>>) dst(%dma_wait3A_290 : memref<8192x128xf32, #tpu.memory_space<vmem_shared>>)
    %add3A_291 = arith.constant 512 : i32
    %add3A_292 = arith.addi %mul3A_32, %add3A_291 : i32
    %dma_start3A_293 = arith.constant 0 : i32
    %dma_start3A_294 = tpu.memref_slice %arg2[%add3A_30, %add3A_292, %dma_start3A_293] : memref<16x4096x128xf32, #tpu.memory_space<hbm>> -> memref<1x128x128xf32, #tpu.memory_space<hbm>>
    %dma_start3A_295 = tpu.memref_squeeze %dma_start3A_294 : memref<1x128x128xf32, #tpu.memory_space<hbm>> -> memref<128x128xf32, #tpu.memory_space<hbm>>
    %dma_start3A_296 = arith.constant 0 : i32
    %dma_start3A_297 = tpu.memref_slice %arg2[%add3A_30, %add3A_292, %dma_start3A_296] : memref<16x4096x128xf32, #tpu.memory_space<hbm>> -> memref<1x128x128xf32, #tpu.memory_space<hbm>>
    %dma_start3A_298 = tpu.memref_squeeze %dma_start3A_297 : memref<1x128x128xf32, #tpu.memory_space<hbm>> -> memref<128x128xf32, #tpu.memory_space<hbm>>
    tpu.enqueue_dma source(%dma_start3A_298 : memref<128x128xf32, #tpu.memory_space<hbm>>) target(%arg6 : memref<128x128xf32, #tpu.memory_space<vmem>>) target_semaphore(%arg11 : memref<!tpu.dma_semaphore, #tpu.memory_space<semaphore_mem>>)
    %dma_wait3A_299 = arith.constant 0 : i32
    %dma_wait3A_300 = tpu.memref_slice %arg2[%add3A_30, %add3A_54, %dma_wait3A_299] : memref<16x4096x128xf32, #tpu.memory_space<hbm>> -> memref<1x128x128xf32, #tpu.memory_space<hbm>>
    %dma_wait3A_301 = tpu.memref_squeeze %dma_wait3A_300 : memref<1x128x128xf32, #tpu.memory_space<hbm>> -> memref<128x128xf32, #tpu.memory_space<hbm>>
    %dma_wait3A_302 = arith.constant 0 : i32
    %dma_wait3A_303 = tpu.memref_slice %arg2[%add3A_30, %add3A_54, %dma_wait3A_302] : memref<16x4096x128xf32, #tpu.memory_space<hbm>> -> memref<1x128x128xf32, #tpu.memory_space<hbm>>
    %dma_wait3A_304 = tpu.memref_squeeze %dma_wait3A_303 : memref<1x128x128xf32, #tpu.memory_space<hbm>> -> memref<128x128xf32, #tpu.memory_space<hbm>>
    tpu.wait_dma2 semaphore(%arg12 : memref<!tpu.dma_semaphore, #tpu.memory_space<semaphore_mem>>) src(%dma_wait3A_304 : memref<128x128xf32, #tpu.memory_space<hbm>>) dst(%arg7 : memref<128x128xf32, #tpu.memory_space<vmem>>)
    %dma_start3A_305 = arith.constant 2 : i32
    %dma_start3A_306 = arith.constant 0 : i32
    %dma_start3A_307 = tpu.memref_slice %arg8[%dma_start3A_305, %dma_start3A_306] : memref<16x128xi32, #tpu.memory_space<vmem>> -> memref<1x128xi32, #tpu.memory_space<vmem>>
    %dma_start3A_308 = tpu.memref_squeeze %dma_start3A_307 : memref<1x128xi32, #tpu.memory_space<vmem>> -> memref<128xi32, #tpu.memory_space<vmem>>
    %dma_start3A_309 = arith.constant 0 : i32
    %dma_start3A_310 = arith.constant 0 : i32
    %dma_start3A_311 = tpu.memref_slice %arg17[%dma_start3A_309, %dma_start3A_310] : memref<8192x128xf32, #tpu.memory_space<vmem_shared>> -> memref<8192x128xf32, #tpu.memory_space<vmem_shared>>
    tpu.enqueue_indirect_dma source(%arg7 : memref<128x128xf32, #tpu.memory_space<vmem>>) target(%dma_start3A_311 : memref<8192x128xf32, #tpu.memory_space<vmem_shared>>) offsets(%dma_start3A_308 : memref<128xi32, #tpu.memory_space<vmem>>) semaphore(%arg13 : memref<!tpu.dma_semaphore, #tpu.memory_space<semaphore_mem>>) {add = true}
    %dma_wait3A_312 = arith.constant 2 : i32
    %dma_wait3A_313 = arith.constant 0 : i32
    %dma_wait3A_314 = tpu.memref_slice %arg8[%dma_wait3A_312, %dma_wait3A_313] : memref<16x128xi32, #tpu.memory_space<vmem>> -> memref<1x128xi32, #tpu.memory_space<vmem>>
    %dma_wait3A_315 = tpu.memref_squeeze %dma_wait3A_314 : memref<1x128xi32, #tpu.memory_space<vmem>> -> memref<128xi32, #tpu.memory_space<vmem>>
    %dma_wait3A_316 = arith.constant 0 : i32
    %dma_wait3A_317 = arith.constant 0 : i32
    %dma_wait3A_318 = tpu.memref_slice %arg17[%dma_wait3A_316, %dma_wait3A_317] : memref<8192x128xf32, #tpu.memory_space<vmem_shared>> -> memref<8192x128xf32, #tpu.memory_space<vmem_shared>>
    tpu.wait_indirect_dma semaphore(%arg13 : memref<!tpu.dma_semaphore, #tpu.memory_space<semaphore_mem>>) src(%arg7 : memref<128x128xf32, #tpu.memory_space<vmem>>) dst(%dma_wait3A_318 : memref<8192x128xf32, #tpu.memory_space<vmem_shared>>)
    %add3A_319 = arith.constant 640 : i32
    %add3A_320 = arith.addi %mul3A_32, %add3A_319 : i32
    %dma_start3A_321 = arith.constant 0 : i32
    %dma_start3A_322 = tpu.memref_slice %arg2[%add3A_30, %add3A_320, %dma_start3A_321] : memref<16x4096x128xf32, #tpu.memory_space<hbm>> -> memref<1x128x128xf32, #tpu.memory_space<hbm>>
    %dma_start3A_323 = tpu.memref_squeeze %dma_start3A_322 : memref<1x128x128xf32, #tpu.memory_space<hbm>> -> memref<128x128xf32, #tpu.memory_space<hbm>>
    %dma_start3A_324 = arith.constant 0 : i32
    %dma_start3A_325 = tpu.memref_slice %arg2[%add3A_30, %add3A_320, %dma_start3A_324] : memref<16x4096x128xf32, #tpu.memory_space<hbm>> -> memref<1x128x128xf32, #tpu.memory_space<hbm>>
    %dma_start3A_326 = tpu.memref_squeeze %dma_start3A_325 : memref<1x128x128xf32, #tpu.memory_space<hbm>> -> memref<128x128xf32, #tpu.memory_space<hbm>>
    tpu.enqueue_dma source(%dma_start3A_326 : memref<128x128xf32, #tpu.memory_space<hbm>>) target(%arg7 : memref<128x128xf32, #tpu.memory_space<vmem>>) target_semaphore(%arg12 : memref<!tpu.dma_semaphore, #tpu.memory_space<semaphore_mem>>)
    %dma_wait3A_327 = arith.constant 0 : i32
    %dma_wait3A_328 = tpu.memref_slice %arg2[%add3A_30, %add3A_264, %dma_wait3A_327] : memref<16x4096x128xf32, #tpu.memory_space<hbm>> -> memref<1x128x128xf32, #tpu.memory_space<hbm>>
    %dma_wait3A_329 = tpu.memref_squeeze %dma_wait3A_328 : memref<1x128x128xf32, #tpu.memory_space<hbm>> -> memref<128x128xf32, #tpu.memory_space<hbm>>
    %dma_wait3A_330 = arith.constant 0 : i32
    %dma_wait3A_331 = tpu.memref_slice %arg2[%add3A_30, %add3A_264, %dma_wait3A_330] : memref<16x4096x128xf32, #tpu.memory_space<hbm>> -> memref<1x128x128xf32, #tpu.memory_space<hbm>>
    %dma_wait3A_332 = tpu.memref_squeeze %dma_wait3A_331 : memref<1x128x128xf32, #tpu.memory_space<hbm>> -> memref<128x128xf32, #tpu.memory_space<hbm>>
    tpu.wait_dma2 semaphore(%arg10 : memref<!tpu.dma_semaphore, #tpu.memory_space<semaphore_mem>>) src(%dma_wait3A_332 : memref<128x128xf32, #tpu.memory_space<hbm>>) dst(%arg5 : memref<128x128xf32, #tpu.memory_space<vmem>>)
    %dma_start3A_333 = arith.constant 3 : i32
    %dma_start3A_334 = arith.constant 0 : i32
    %dma_start3A_335 = tpu.memref_slice %arg8[%dma_start3A_333, %dma_start3A_334] : memref<16x128xi32, #tpu.memory_space<vmem>> -> memref<1x128xi32, #tpu.memory_space<vmem>>
    %dma_start3A_336 = tpu.memref_squeeze %dma_start3A_335 : memref<1x128xi32, #tpu.memory_space<vmem>> -> memref<128xi32, #tpu.memory_space<vmem>>
    %dma_start3A_337 = arith.constant 0 : i32
    %dma_start3A_338 = arith.constant 0 : i32
    %dma_start3A_339 = tpu.memref_slice %arg17[%dma_start3A_337, %dma_start3A_338] : memref<8192x128xf32, #tpu.memory_space<vmem_shared>> -> memref<8192x128xf32, #tpu.memory_space<vmem_shared>>
    tpu.enqueue_indirect_dma source(%arg5 : memref<128x128xf32, #tpu.memory_space<vmem>>) target(%dma_start3A_339 : memref<8192x128xf32, #tpu.memory_space<vmem_shared>>) offsets(%dma_start3A_336 : memref<128xi32, #tpu.memory_space<vmem>>) semaphore(%arg13 : memref<!tpu.dma_semaphore, #tpu.memory_space<semaphore_mem>>) {add = true}
    %dma_wait3A_340 = arith.constant 3 : i32
    %dma_wait3A_341 = arith.constant 0 : i32
    %dma_wait3A_342 = tpu.memref_slice %arg8[%dma_wait3A_340, %dma_wait3A_341] : memref<16x128xi32, #tpu.memory_space<vmem>> -> memref<1x128xi32, #tpu.memory_space<vmem>>
    %dma_wait3A_343 = tpu.memref_squeeze %dma_wait3A_342 : memref<1x128xi32, #tpu.memory_space<vmem>> -> memref<128xi32, #tpu.memory_space<vmem>>
    %dma_wait3A_344 = arith.constant 0 : i32
    %dma_wait3A_345 = arith.constant 0 : i32
    %dma_wait3A_346 = tpu.memref_slice %arg17[%dma_wait3A_344, %dma_wait3A_345] : memref<8192x128xf32, #tpu.memory_space<vmem_shared>> -> memref<8192x128xf32, #tpu.memory_space<vmem_shared>>
    tpu.wait_indirect_dma semaphore(%arg13 : memref<!tpu.dma_semaphore, #tpu.memory_space<semaphore_mem>>) src(%arg5 : memref<128x128xf32, #tpu.memory_space<vmem>>) dst(%dma_wait3A_346 : memref<8192x128xf32, #tpu.memory_space<vmem_shared>>)
    %add3A_347 = arith.constant 768 : i32
    %add3A_348 = arith.addi %mul3A_32, %add3A_347 : i32
    %dma_start3A_349 = arith.constant 0 : i32
    %dma_start3A_350 = tpu.memref_slice %arg2[%add3A_30, %add3A_348, %dma_start3A_349] : memref<16x4096x128xf32, #tpu.memory_space<hbm>> -> memref<1x128x128xf32, #tpu.memory_space<hbm>>
    %dma_start3A_351 = tpu.memref_squeeze %dma_start3A_350 : memref<1x128x128xf32, #tpu.memory_space<hbm>> -> memref<128x128xf32, #tpu.memory_space<hbm>>
    %dma_start3A_352 = arith.constant 0 : i32
    %dma_start3A_353 = tpu.memref_slice %arg2[%add3A_30, %add3A_348, %dma_start3A_352] : memref<16x4096x128xf32, #tpu.memory_space<hbm>> -> memref<1x128x128xf32, #tpu.memory_space<hbm>>
    %dma_start3A_354 = tpu.memref_squeeze %dma_start3A_353 : memref<1x128x128xf32, #tpu.memory_space<hbm>> -> memref<128x128xf32, #tpu.memory_space<hbm>>
    tpu.enqueue_dma source(%dma_start3A_354 : memref<128x128xf32, #tpu.memory_space<hbm>>) target(%arg5 : memref<128x128xf32, #tpu.memory_space<vmem>>) target_semaphore(%arg10 : memref<!tpu.dma_semaphore, #tpu.memory_space<semaphore_mem>>)
    %dma_wait3A_355 = arith.constant 0 : i32
    %dma_wait3A_356 = tpu.memref_slice %arg2[%add3A_30, %add3A_292, %dma_wait3A_355] : memref<16x4096x128xf32, #tpu.memory_space<hbm>> -> memref<1x128x128xf32, #tpu.memory_space<hbm>>
    %dma_wait3A_357 = tpu.memref_squeeze %dma_wait3A_356 : memref<1x128x128xf32, #tpu.memory_space<hbm>> -> memref<128x128xf32, #tpu.memory_space<hbm>>
    %dma_wait3A_358 = arith.constant 0 : i32
    %dma_wait3A_359 = tpu.memref_slice %arg2[%add3A_30, %add3A_292, %dma_wait3A_358] : memref<16x4096x128xf32, #tpu.memory_space<hbm>> -> memref<1x128x128xf32, #tpu.memory_space<hbm>>
    %dma_wait3A_360 = tpu.memref_squeeze %dma_wait3A_359 : memref<1x128x128xf32, #tpu.memory_space<hbm>> -> memref<128x128xf32, #tpu.memory_space<hbm>>
    tpu.wait_dma2 semaphore(%arg11 : memref<!tpu.dma_semaphore, #tpu.memory_space<semaphore_mem>>) src(%dma_wait3A_360 : memref<128x128xf32, #tpu.memory_space<hbm>>) dst(%arg6 : memref<128x128xf32, #tpu.memory_space<vmem>>)
    %dma_start3A_361 = arith.constant 4 : i32
    %dma_start3A_362 = arith.constant 0 : i32
    %dma_start3A_363 = tpu.memref_slice %arg8[%dma_start3A_361, %dma_start3A_362] : memref<16x128xi32, #tpu.memory_space<vmem>> -> memref<1x128xi32, #tpu.memory_space<vmem>>
    %dma_start3A_364 = tpu.memref_squeeze %dma_start3A_363 : memref<1x128xi32, #tpu.memory_space<vmem>> -> memref<128xi32, #tpu.memory_space<vmem>>
    %dma_start3A_365 = arith.constant 0 : i32
    %dma_start3A_366 = arith.constant 0 : i32
    %dma_start3A_367 = tpu.memref_slice %arg17[%dma_start3A_365, %dma_start3A_366] : memref<8192x128xf32, #tpu.memory_space<vmem_shared>> -> memref<8192x128xf32, #tpu.memory_space<vmem_shared>>
    tpu.enqueue_indirect_dma source(%arg6 : memref<128x128xf32, #tpu.memory_space<vmem>>) target(%dma_start3A_367 : memref<8192x128xf32, #tpu.memory_space<vmem_shared>>) offsets(%dma_start3A_364 : memref<128xi32, #tpu.memory_space<vmem>>) semaphore(%arg13 : memref<!tpu.dma_semaphore, #tpu.memory_space<semaphore_mem>>) {add = true}
    %dma_wait3A_368 = arith.constant 4 : i32
    %dma_wait3A_369 = arith.constant 0 : i32
    %dma_wait3A_370 = tpu.memref_slice %arg8[%dma_wait3A_368, %dma_wait3A_369] : memref<16x128xi32, #tpu.memory_space<vmem>> -> memref<1x128xi32, #tpu.memory_space<vmem>>
    %dma_wait3A_371 = tpu.memref_squeeze %dma_wait3A_370 : memref<1x128xi32, #tpu.memory_space<vmem>> -> memref<128xi32, #tpu.memory_space<vmem>>
    %dma_wait3A_372 = arith.constant 0 : i32
    %dma_wait3A_373 = arith.constant 0 : i32
    %dma_wait3A_374 = tpu.memref_slice %arg17[%dma_wait3A_372, %dma_wait3A_373] : memref<8192x128xf32, #tpu.memory_space<vmem_shared>> -> memref<8192x128xf32, #tpu.memory_space<vmem_shared>>
    tpu.wait_indirect_dma semaphore(%arg13 : memref<!tpu.dma_semaphore, #tpu.memory_space<semaphore_mem>>) src(%arg6 : memref<128x128xf32, #tpu.memory_space<vmem>>) dst(%dma_wait3A_374 : memref<8192x128xf32, #tpu.memory_space<vmem_shared>>)
    %add3A_375 = arith.constant 896 : i32
    %add3A_376 = arith.addi %mul3A_32, %add3A_375 : i32
    %dma_start3A_377 = arith.constant 0 : i32
    %dma_start3A_378 = tpu.memref_slice %arg2[%add3A_30, %add3A_376, %dma_start3A_377] : memref<16x4096x128xf32, #tpu.memory_space<hbm>> -> memref<1x128x128xf32, #tpu.memory_space<hbm>>
    %dma_start3A_379 = tpu.memref_squeeze %dma_start3A_378 : memref<1x128x128xf32, #tpu.memory_space<hbm>> -> memref<128x128xf32, #tpu.memory_space<hbm>>
    %dma_start3A_380 = arith.constant 0 : i32
    %dma_start3A_381 = tpu.memref_slice %arg2[%add3A_30, %add3A_376, %dma_start3A_380] : memref<16x4096x128xf32, #tpu.memory_space<hbm>> -> memref<1x128x128xf32, #tpu.memory_space<hbm>>
    %dma_start3A_382 = tpu.memref_squeeze %dma_start3A_381 : memref<1x128x128xf32, #tpu.memory_space<hbm>> -> memref<128x128xf32, #tpu.memory_space<hbm>>
    tpu.enqueue_dma source(%dma_start3A_382 : memref<128x128xf32, #tpu.memory_space<hbm>>) target(%arg6 : memref<128x128xf32, #tpu.memory_space<vmem>>) target_semaphore(%arg11 : memref<!tpu.dma_semaphore, #tpu.memory_space<semaphore_mem>>)
    %dma_wait3A_383 = arith.constant 0 : i32
    %dma_wait3A_384 = tpu.memref_slice %arg2[%add3A_30, %add3A_320, %dma_wait3A_383] : memref<16x4096x128xf32, #tpu.memory_space<hbm>> -> memref<1x128x128xf32, #tpu.memory_space<hbm>>
    %dma_wait3A_385 = tpu.memref_squeeze %dma_wait3A_384 : memref<1x128x128xf32, #tpu.memory_space<hbm>> -> memref<128x128xf32, #tpu.memory_space<hbm>>
    %dma_wait3A_386 = arith.constant 0 : i32
    %dma_wait3A_387 = tpu.memref_slice %arg2[%add3A_30, %add3A_320, %dma_wait3A_386] : memref<16x4096x128xf32, #tpu.memory_space<hbm>> -> memref<1x128x128xf32, #tpu.memory_space<hbm>>
    %dma_wait3A_388 = tpu.memref_squeeze %dma_wait3A_387 : memref<1x128x128xf32, #tpu.memory_space<hbm>> -> memref<128x128xf32, #tpu.memory_space<hbm>>
    tpu.wait_dma2 semaphore(%arg12 : memref<!tpu.dma_semaphore, #tpu.memory_space<semaphore_mem>>) src(%dma_wait3A_388 : memref<128x128xf32, #tpu.memory_space<hbm>>) dst(%arg7 : memref<128x128xf32, #tpu.memory_space<vmem>>)
    %dma_start3A_389 = arith.constant 5 : i32
    %dma_start3A_390 = arith.constant 0 : i32
    %dma_start3A_391 = tpu.memref_slice %arg8[%dma_start3A_389, %dma_start3A_390] : memref<16x128xi32, #tpu.memory_space<vmem>> -> memref<1x128xi32, #tpu.memory_space<vmem>>
    %dma_start3A_392 = tpu.memref_squeeze %dma_start3A_391 : memref<1x128xi32, #tpu.memory_space<vmem>> -> memref<128xi32, #tpu.memory_space<vmem>>
    %dma_start3A_393 = arith.constant 0 : i32
    %dma_start3A_394 = arith.constant 0 : i32
    %dma_start3A_395 = tpu.memref_slice %arg17[%dma_start3A_393, %dma_start3A_394] : memref<8192x128xf32, #tpu.memory_space<vmem_shared>> -> memref<8192x128xf32, #tpu.memory_space<vmem_shared>>
    tpu.enqueue_indirect_dma source(%arg7 : memref<128x128xf32, #tpu.memory_space<vmem>>) target(%dma_start3A_395 : memref<8192x128xf32, #tpu.memory_space<vmem_shared>>) offsets(%dma_start3A_392 : memref<128xi32, #tpu.memory_space<vmem>>) semaphore(%arg13 : memref<!tpu.dma_semaphore, #tpu.memory_space<semaphore_mem>>) {add = true}
    %dma_wait3A_396 = arith.constant 5 : i32
    %dma_wait3A_397 = arith.constant 0 : i32
    %dma_wait3A_398 = tpu.memref_slice %arg8[%dma_wait3A_396, %dma_wait3A_397] : memref<16x128xi32, #tpu.memory_space<vmem>> -> memref<1x128xi32, #tpu.memory_space<vmem>>
    %dma_wait3A_399 = tpu.memref_squeeze %dma_wait3A_398 : memref<1x128xi32, #tpu.memory_space<vmem>> -> memref<128xi32, #tpu.memory_space<vmem>>
    %dma_wait3A_400 = arith.constant 0 : i32
    %dma_wait3A_401 = arith.constant 0 : i32
    %dma_wait3A_402 = tpu.memref_slice %arg17[%dma_wait3A_400, %dma_wait3A_401] : memref<8192x128xf32, #tpu.memory_space<vmem_shared>> -> memref<8192x128xf32, #tpu.memory_space<vmem_shared>>
    tpu.wait_indirect_dma semaphore(%arg13 : memref<!tpu.dma_semaphore, #tpu.memory_space<semaphore_mem>>) src(%arg7 : memref<128x128xf32, #tpu.memory_space<vmem>>) dst(%dma_wait3A_402 : memref<8192x128xf32, #tpu.memory_space<vmem_shared>>)
    %add3A_403 = arith.constant 1024 : i32
    %add3A_404 = arith.addi %mul3A_32, %add3A_403 : i32
    %dma_start3A_405 = arith.constant 0 : i32
    %dma_start3A_406 = tpu.memref_slice %arg2[%add3A_30, %add3A_404, %dma_start3A_405] : memref<16x4096x128xf32, #tpu.memory_space<hbm>> -> memref<1x128x128xf32, #tpu.memory_space<hbm>>
    %dma_start3A_407 = tpu.memref_squeeze %dma_start3A_406 : memref<1x128x128xf32, #tpu.memory_space<hbm>> -> memref<128x128xf32, #tpu.memory_space<hbm>>
    %dma_start3A_408 = arith.constant 0 : i32
    %dma_start3A_409 = tpu.memref_slice %arg2[%add3A_30, %add3A_404, %dma_start3A_408] : memref<16x4096x128xf32, #tpu.memory_space<hbm>> -> memref<1x128x128xf32, #tpu.memory_space<hbm>>
    %dma_start3A_410 = tpu.memref_squeeze %dma_start3A_409 : memref<1x128x128xf32, #tpu.memory_space<hbm>> -> memref<128x128xf32, #tpu.memory_space<hbm>>
    tpu.enqueue_dma source(%dma_start3A_410 : memref<128x128xf32, #tpu.memory_space<hbm>>) target(%arg7 : memref<128x128xf32, #tpu.memory_space<vmem>>) target_semaphore(%arg12 : memref<!tpu.dma_semaphore, #tpu.memory_space<semaphore_mem>>)
    %dma_wait3A_411 = arith.constant 0 : i32
    %dma_wait3A_412 = tpu.memref_slice %arg2[%add3A_30, %add3A_348, %dma_wait3A_411] : memref<16x4096x128xf32, #tpu.memory_space<hbm>> -> memref<1x128x128xf32, #tpu.memory_space<hbm>>
    %dma_wait3A_413 = tpu.memref_squeeze %dma_wait3A_412 : memref<1x128x128xf32, #tpu.memory_space<hbm>> -> memref<128x128xf32, #tpu.memory_space<hbm>>
    %dma_wait3A_414 = arith.constant 0 : i32
    %dma_wait3A_415 = tpu.memref_slice %arg2[%add3A_30, %add3A_348, %dma_wait3A_414] : memref<16x4096x128xf32, #tpu.memory_space<hbm>> -> memref<1x128x128xf32, #tpu.memory_space<hbm>>
    %dma_wait3A_416 = tpu.memref_squeeze %dma_wait3A_415 : memref<1x128x128xf32, #tpu.memory_space<hbm>> -> memref<128x128xf32, #tpu.memory_space<hbm>>
    tpu.wait_dma2 semaphore(%arg10 : memref<!tpu.dma_semaphore, #tpu.memory_space<semaphore_mem>>) src(%dma_wait3A_416 : memref<128x128xf32, #tpu.memory_space<hbm>>) dst(%arg5 : memref<128x128xf32, #tpu.memory_space<vmem>>)
    %dma_start3A_417 = arith.constant 6 : i32
    %dma_start3A_418 = arith.constant 0 : i32
    %dma_start3A_419 = tpu.memref_slice %arg8[%dma_start3A_417, %dma_start3A_418] : memref<16x128xi32, #tpu.memory_space<vmem>> -> memref<1x128xi32, #tpu.memory_space<vmem>>
    %dma_start3A_420 = tpu.memref_squeeze %dma_start3A_419 : memref<1x128xi32, #tpu.memory_space<vmem>> -> memref<128xi32, #tpu.memory_space<vmem>>
    %dma_start3A_421 = arith.constant 0 : i32
    %dma_start3A_422 = arith.constant 0 : i32
    %dma_start3A_423 = tpu.memref_slice %arg17[%dma_start3A_421, %dma_start3A_422] : memref<8192x128xf32, #tpu.memory_space<vmem_shared>> -> memref<8192x128xf32, #tpu.memory_space<vmem_shared>>
    tpu.enqueue_indirect_dma source(%arg5 : memref<128x128xf32, #tpu.memory_space<vmem>>) target(%dma_start3A_423 : memref<8192x128xf32, #tpu.memory_space<vmem_shared>>) offsets(%dma_start3A_420 : memref<128xi32, #tpu.memory_space<vmem>>) semaphore(%arg13 : memref<!tpu.dma_semaphore, #tpu.memory_space<semaphore_mem>>) {add = true}
    %dma_wait3A_424 = arith.constant 6 : i32
    %dma_wait3A_425 = arith.constant 0 : i32
    %dma_wait3A_426 = tpu.memref_slice %arg8[%dma_wait3A_424, %dma_wait3A_425] : memref<16x128xi32, #tpu.memory_space<vmem>> -> memref<1x128xi32, #tpu.memory_space<vmem>>
    %dma_wait3A_427 = tpu.memref_squeeze %dma_wait3A_426 : memref<1x128xi32, #tpu.memory_space<vmem>> -> memref<128xi32, #tpu.memory_space<vmem>>
    %dma_wait3A_428 = arith.constant 0 : i32
    %dma_wait3A_429 = arith.constant 0 : i32
    %dma_wait3A_430 = tpu.memref_slice %arg17[%dma_wait3A_428, %dma_wait3A_429] : memref<8192x128xf32, #tpu.memory_space<vmem_shared>> -> memref<8192x128xf32, #tpu.memory_space<vmem_shared>>
    tpu.wait_indirect_dma semaphore(%arg13 : memref<!tpu.dma_semaphore, #tpu.memory_space<semaphore_mem>>) src(%arg5 : memref<128x128xf32, #tpu.memory_space<vmem>>) dst(%dma_wait3A_430 : memref<8192x128xf32, #tpu.memory_space<vmem_shared>>)
    %add3A_431 = arith.constant 1152 : i32
    %add3A_432 = arith.addi %mul3A_32, %add3A_431 : i32
    %dma_start3A_433 = arith.constant 0 : i32
    %dma_start3A_434 = tpu.memref_slice %arg2[%add3A_30, %add3A_432, %dma_start3A_433] : memref<16x4096x128xf32, #tpu.memory_space<hbm>> -> memref<1x128x128xf32, #tpu.memory_space<hbm>>
    %dma_start3A_435 = tpu.memref_squeeze %dma_start3A_434 : memref<1x128x128xf32, #tpu.memory_space<hbm>> -> memref<128x128xf32, #tpu.memory_space<hbm>>
    %dma_start3A_436 = arith.constant 0 : i32
    %dma_start3A_437 = tpu.memref_slice %arg2[%add3A_30, %add3A_432, %dma_start3A_436] : memref<16x4096x128xf32, #tpu.memory_space<hbm>> -> memref<1x128x128xf32, #tpu.memory_space<hbm>>
    %dma_start3A_438 = tpu.memref_squeeze %dma_start3A_437 : memref<1x128x128xf32, #tpu.memory_space<hbm>> -> memref<128x128xf32, #tpu.memory_space<hbm>>
    tpu.enqueue_dma source(%dma_start3A_438 : memref<128x128xf32, #tpu.memory_space<hbm>>) target(%arg5 : memref<128x128xf32, #tpu.memory_space<vmem>>) target_semaphore(%arg10 : memref<!tpu.dma_semaphore, #tpu.memory_space<semaphore_mem>>)
    %dma_wait3A_439 = arith.constant 0 : i32
    %dma_wait3A_440 = tpu.memref_slice %arg2[%add3A_30, %add3A_376, %dma_wait3A_439] : memref<16x4096x128xf32, #tpu.memory_space<hbm>> -> memref<1x128x128xf32, #tpu.memory_space<hbm>>
    %dma_wait3A_441 = tpu.memref_squeeze %dma_wait3A_440 : memref<1x128x128xf32, #tpu.memory_space<hbm>> -> memref<128x128xf32, #tpu.memory_space<hbm>>
    %dma_wait3A_442 = arith.constant 0 : i32
    %dma_wait3A_443 = tpu.memref_slice %arg2[%add3A_30, %add3A_376, %dma_wait3A_442] : memref<16x4096x128xf32, #tpu.memory_space<hbm>> -> memref<1x128x128xf32, #tpu.memory_space<hbm>>
    %dma_wait3A_444 = tpu.memref_squeeze %dma_wait3A_443 : memref<1x128x128xf32, #tpu.memory_space<hbm>> -> memref<128x128xf32, #tpu.memory_space<hbm>>
    tpu.wait_dma2 semaphore(%arg11 : memref<!tpu.dma_semaphore, #tpu.memory_space<semaphore_mem>>) src(%dma_wait3A_444 : memref<128x128xf32, #tpu.memory_space<hbm>>) dst(%arg6 : memref<128x128xf32, #tpu.memory_space<vmem>>)
    %dma_start3A_445 = arith.constant 7 : i32
    %dma_start3A_446 = arith.constant 0 : i32
    %dma_start3A_447 = tpu.memref_slice %arg8[%dma_start3A_445, %dma_start3A_446] : memref<16x128xi32, #tpu.memory_space<vmem>> -> memref<1x128xi32, #tpu.memory_space<vmem>>
    %dma_start3A_448 = tpu.memref_squeeze %dma_start3A_447 : memref<1x128xi32, #tpu.memory_space<vmem>> -> memref<128xi32, #tpu.memory_space<vmem>>
    %dma_start3A_449 = arith.constant 0 : i32
    %dma_start3A_450 = arith.constant 0 : i32
    %dma_start3A_451 = tpu.memref_slice %arg17[%dma_start3A_449, %dma_start3A_450] : memref<8192x128xf32, #tpu.memory_space<vmem_shared>> -> memref<8192x128xf32, #tpu.memory_space<vmem_shared>>
    tpu.enqueue_indirect_dma source(%arg6 : memref<128x128xf32, #tpu.memory_space<vmem>>) target(%dma_start3A_451 : memref<8192x128xf32, #tpu.memory_space<vmem_shared>>) offsets(%dma_start3A_448 : memref<128xi32, #tpu.memory_space<vmem>>) semaphore(%arg13 : memref<!tpu.dma_semaphore, #tpu.memory_space<semaphore_mem>>) {add = true}
    %dma_wait3A_452 = arith.constant 7 : i32
    %dma_wait3A_453 = arith.constant 0 : i32
    %dma_wait3A_454 = tpu.memref_slice %arg8[%dma_wait3A_452, %dma_wait3A_453] : memref<16x128xi32, #tpu.memory_space<vmem>> -> memref<1x128xi32, #tpu.memory_space<vmem>>
    %dma_wait3A_455 = tpu.memref_squeeze %dma_wait3A_454 : memref<1x128xi32, #tpu.memory_space<vmem>> -> memref<128xi32, #tpu.memory_space<vmem>>
    %dma_wait3A_456 = arith.constant 0 : i32
    %dma_wait3A_457 = arith.constant 0 : i32
    %dma_wait3A_458 = tpu.memref_slice %arg17[%dma_wait3A_456, %dma_wait3A_457] : memref<8192x128xf32, #tpu.memory_space<vmem_shared>> -> memref<8192x128xf32, #tpu.memory_space<vmem_shared>>
    tpu.wait_indirect_dma semaphore(%arg13 : memref<!tpu.dma_semaphore, #tpu.memory_space<semaphore_mem>>) src(%arg6 : memref<128x128xf32, #tpu.memory_space<vmem>>) dst(%dma_wait3A_458 : memref<8192x128xf32, #tpu.memory_space<vmem_shared>>)
    %add3A_459 = arith.constant 1280 : i32
    %add3A_460 = arith.addi %mul3A_32, %add3A_459 : i32
    %dma_start3A_461 = arith.constant 0 : i32
    %dma_start3A_462 = tpu.memref_slice %arg2[%add3A_30, %add3A_460, %dma_start3A_461] : memref<16x4096x128xf32, #tpu.memory_space<hbm>> -> memref<1x128x128xf32, #tpu.memory_space<hbm>>
    %dma_start3A_463 = tpu.memref_squeeze %dma_start3A_462 : memref<1x128x128xf32, #tpu.memory_space<hbm>> -> memref<128x128xf32, #tpu.memory_space<hbm>>
    %dma_start3A_464 = arith.constant 0 : i32
    %dma_start3A_465 = tpu.memref_slice %arg2[%add3A_30, %add3A_460, %dma_start3A_464] : memref<16x4096x128xf32, #tpu.memory_space<hbm>> -> memref<1x128x128xf32, #tpu.memory_space<hbm>>
    %dma_start3A_466 = tpu.memref_squeeze %dma_start3A_465 : memref<1x128x128xf32, #tpu.memory_space<hbm>> -> memref<128x128xf32, #tpu.memory_space<hbm>>
    tpu.enqueue_dma source(%dma_start3A_466 : memref<128x128xf32, #tpu.memory_space<hbm>>) target(%arg6 : memref<128x128xf32, #tpu.memory_space<vmem>>) target_semaphore(%arg11 : memref<!tpu.dma_semaphore, #tpu.memory_space<semaphore_mem>>)
    %dma_wait3A_467 = arith.constant 0 : i32
    %dma_wait3A_468 = tpu.memref_slice %arg2[%add3A_30, %add3A_404, %dma_wait3A_467] : memref<16x4096x128xf32, #tpu.memory_space<hbm>> -> memref<1x128x128xf32, #tpu.memory_space<hbm>>
    %dma_wait3A_469 = tpu.memref_squeeze %dma_wait3A_468 : memref<1x128x128xf32, #tpu.memory_space<hbm>> -> memref<128x128xf32, #tpu.memory_space<hbm>>
    %dma_wait3A_470 = arith.constant 0 : i32
    %dma_wait3A_471 = tpu.memref_slice %arg2[%add3A_30, %add3A_404, %dma_wait3A_470] : memref<16x4096x128xf32, #tpu.memory_space<hbm>> -> memref<1x128x128xf32, #tpu.memory_space<hbm>>
    %dma_wait3A_472 = tpu.memref_squeeze %dma_wait3A_471 : memref<1x128x128xf32, #tpu.memory_space<hbm>> -> memref<128x128xf32, #tpu.memory_space<hbm>>
    tpu.wait_dma2 semaphore(%arg12 : memref<!tpu.dma_semaphore, #tpu.memory_space<semaphore_mem>>) src(%dma_wait3A_472 : memref<128x128xf32, #tpu.memory_space<hbm>>) dst(%arg7 : memref<128x128xf32, #tpu.memory_space<vmem>>)
    %dma_start3A_473 = arith.constant 8 : i32
    %dma_start3A_474 = arith.constant 0 : i32
    %dma_start3A_475 = tpu.memref_slice %arg8[%dma_start3A_473, %dma_start3A_474] : memref<16x128xi32, #tpu.memory_space<vmem>> -> memref<1x128xi32, #tpu.memory_space<vmem>>
    %dma_start3A_476 = tpu.memref_squeeze %dma_start3A_475 : memref<1x128xi32, #tpu.memory_space<vmem>> -> memref<128xi32, #tpu.memory_space<vmem>>
    %dma_start3A_477 = arith.constant 0 : i32
    %dma_start3A_478 = arith.constant 0 : i32
    %dma_start3A_479 = tpu.memref_slice %arg17[%dma_start3A_477, %dma_start3A_478] : memref<8192x128xf32, #tpu.memory_space<vmem_shared>> -> memref<8192x128xf32, #tpu.memory_space<vmem_shared>>
    tpu.enqueue_indirect_dma source(%arg7 : memref<128x128xf32, #tpu.memory_space<vmem>>) target(%dma_start3A_479 : memref<8192x128xf32, #tpu.memory_space<vmem_shared>>) offsets(%dma_start3A_476 : memref<128xi32, #tpu.memory_space<vmem>>) semaphore(%arg13 : memref<!tpu.dma_semaphore, #tpu.memory_space<semaphore_mem>>) {add = true}
    %dma_wait3A_480 = arith.constant 8 : i32
    %dma_wait3A_481 = arith.constant 0 : i32
    %dma_wait3A_482 = tpu.memref_slice %arg8[%dma_wait3A_480, %dma_wait3A_481] : memref<16x128xi32, #tpu.memory_space<vmem>> -> memref<1x128xi32, #tpu.memory_space<vmem>>
    %dma_wait3A_483 = tpu.memref_squeeze %dma_wait3A_482 : memref<1x128xi32, #tpu.memory_space<vmem>> -> memref<128xi32, #tpu.memory_space<vmem>>
    %dma_wait3A_484 = arith.constant 0 : i32
    %dma_wait3A_485 = arith.constant 0 : i32
    %dma_wait3A_486 = tpu.memref_slice %arg17[%dma_wait3A_484, %dma_wait3A_485] : memref<8192x128xf32, #tpu.memory_space<vmem_shared>> -> memref<8192x128xf32, #tpu.memory_space<vmem_shared>>
    tpu.wait_indirect_dma semaphore(%arg13 : memref<!tpu.dma_semaphore, #tpu.memory_space<semaphore_mem>>) src(%arg7 : memref<128x128xf32, #tpu.memory_space<vmem>>) dst(%dma_wait3A_486 : memref<8192x128xf32, #tpu.memory_space<vmem_shared>>)
    %add3A_487 = arith.constant 1408 : i32
    %add3A_488 = arith.addi %mul3A_32, %add3A_487 : i32
    %dma_start3A_489 = arith.constant 0 : i32
    %dma_start3A_490 = tpu.memref_slice %arg2[%add3A_30, %add3A_488, %dma_start3A_489] : memref<16x4096x128xf32, #tpu.memory_space<hbm>> -> memref<1x128x128xf32, #tpu.memory_space<hbm>>
    %dma_start3A_491 = tpu.memref_squeeze %dma_start3A_490 : memref<1x128x128xf32, #tpu.memory_space<hbm>> -> memref<128x128xf32, #tpu.memory_space<hbm>>
    %dma_start3A_492 = arith.constant 0 : i32
    %dma_start3A_493 = tpu.memref_slice %arg2[%add3A_30, %add3A_488, %dma_start3A_492] : memref<16x4096x128xf32, #tpu.memory_space<hbm>> -> memref<1x128x128xf32, #tpu.memory_space<hbm>>
    %dma_start3A_494 = tpu.memref_squeeze %dma_start3A_493 : memref<1x128x128xf32, #tpu.memory_space<hbm>> -> memref<128x128xf32, #tpu.memory_space<hbm>>
    tpu.enqueue_dma source(%dma_start3A_494 : memref<128x128xf32, #tpu.memory_space<hbm>>) target(%arg7 : memref<128x128xf32, #tpu.memory_space<vmem>>) target_semaphore(%arg12 : memref<!tpu.dma_semaphore, #tpu.memory_space<semaphore_mem>>)
    %dma_wait3A_495 = arith.constant 0 : i32
    %dma_wait3A_496 = tpu.memref_slice %arg2[%add3A_30, %add3A_432, %dma_wait3A_495] : memref<16x4096x128xf32, #tpu.memory_space<hbm>> -> memref<1x128x128xf32, #tpu.memory_space<hbm>>
    %dma_wait3A_497 = tpu.memref_squeeze %dma_wait3A_496 : memref<1x128x128xf32, #tpu.memory_space<hbm>> -> memref<128x128xf32, #tpu.memory_space<hbm>>
    %dma_wait3A_498 = arith.constant 0 : i32
    %dma_wait3A_499 = tpu.memref_slice %arg2[%add3A_30, %add3A_432, %dma_wait3A_498] : memref<16x4096x128xf32, #tpu.memory_space<hbm>> -> memref<1x128x128xf32, #tpu.memory_space<hbm>>
    %dma_wait3A_500 = tpu.memref_squeeze %dma_wait3A_499 : memref<1x128x128xf32, #tpu.memory_space<hbm>> -> memref<128x128xf32, #tpu.memory_space<hbm>>
    tpu.wait_dma2 semaphore(%arg10 : memref<!tpu.dma_semaphore, #tpu.memory_space<semaphore_mem>>) src(%dma_wait3A_500 : memref<128x128xf32, #tpu.memory_space<hbm>>) dst(%arg5 : memref<128x128xf32, #tpu.memory_space<vmem>>)
    %dma_start3A_501 = arith.constant 9 : i32
    %dma_start3A_502 = arith.constant 0 : i32
    %dma_start3A_503 = tpu.memref_slice %arg8[%dma_start3A_501, %dma_start3A_502] : memref<16x128xi32, #tpu.memory_space<vmem>> -> memref<1x128xi32, #tpu.memory_space<vmem>>
    %dma_start3A_504 = tpu.memref_squeeze %dma_start3A_503 : memref<1x128xi32, #tpu.memory_space<vmem>> -> memref<128xi32, #tpu.memory_space<vmem>>
    %dma_start3A_505 = arith.constant 0 : i32
    %dma_start3A_506 = arith.constant 0 : i32
    %dma_start3A_507 = tpu.memref_slice %arg17[%dma_start3A_505, %dma_start3A_506] : memref<8192x128xf32, #tpu.memory_space<vmem_shared>> -> memref<8192x128xf32, #tpu.memory_space<vmem_shared>>
    tpu.enqueue_indirect_dma source(%arg5 : memref<128x128xf32, #tpu.memory_space<vmem>>) target(%dma_start3A_507 : memref<8192x128xf32, #tpu.memory_space<vmem_shared>>) offsets(%dma_start3A_504 : memref<128xi32, #tpu.memory_space<vmem>>) semaphore(%arg13 : memref<!tpu.dma_semaphore, #tpu.memory_space<semaphore_mem>>) {add = true}
    %dma_wait3A_508 = arith.constant 9 : i32
    %dma_wait3A_509 = arith.constant 0 : i32
    %dma_wait3A_510 = tpu.memref_slice %arg8[%dma_wait3A_508, %dma_wait3A_509] : memref<16x128xi32, #tpu.memory_space<vmem>> -> memref<1x128xi32, #tpu.memory_space<vmem>>
    %dma_wait3A_511 = tpu.memref_squeeze %dma_wait3A_510 : memref<1x128xi32, #tpu.memory_space<vmem>> -> memref<128xi32, #tpu.memory_space<vmem>>
    %dma_wait3A_512 = arith.constant 0 : i32
    %dma_wait3A_513 = arith.constant 0 : i32
    %dma_wait3A_514 = tpu.memref_slice %arg17[%dma_wait3A_512, %dma_wait3A_513] : memref<8192x128xf32, #tpu.memory_space<vmem_shared>> -> memref<8192x128xf32, #tpu.memory_space<vmem_shared>>
    tpu.wait_indirect_dma semaphore(%arg13 : memref<!tpu.dma_semaphore, #tpu.memory_space<semaphore_mem>>) src(%arg5 : memref<128x128xf32, #tpu.memory_space<vmem>>) dst(%dma_wait3A_514 : memref<8192x128xf32, #tpu.memory_space<vmem_shared>>)
    %add3A_515 = arith.constant 1536 : i32
    %add3A_516 = arith.addi %mul3A_32, %add3A_515 : i32
    %dma_start3A_517 = arith.constant 0 : i32
    %dma_start3A_518 = tpu.memref_slice %arg2[%add3A_30, %add3A_516, %dma_start3A_517] : memref<16x4096x128xf32, #tpu.memory_space<hbm>> -> memref<1x128x128xf32, #tpu.memory_space<hbm>>
    %dma_start3A_519 = tpu.memref_squeeze %dma_start3A_518 : memref<1x128x128xf32, #tpu.memory_space<hbm>> -> memref<128x128xf32, #tpu.memory_space<hbm>>
    %dma_start3A_520 = arith.constant 0 : i32
    %dma_start3A_521 = tpu.memref_slice %arg2[%add3A_30, %add3A_516, %dma_start3A_520] : memref<16x4096x128xf32, #tpu.memory_space<hbm>> -> memref<1x128x128xf32, #tpu.memory_space<hbm>>
    %dma_start3A_522 = tpu.memref_squeeze %dma_start3A_521 : memref<1x128x128xf32, #tpu.memory_space<hbm>> -> memref<128x128xf32, #tpu.memory_space<hbm>>
    tpu.enqueue_dma source(%dma_start3A_522 : memref<128x128xf32, #tpu.memory_space<hbm>>) target(%arg5 : memref<128x128xf32, #tpu.memory_space<vmem>>) target_semaphore(%arg10 : memref<!tpu.dma_semaphore, #tpu.memory_space<semaphore_mem>>)
    %dma_wait3A_523 = arith.constant 0 : i32
    %dma_wait3A_524 = tpu.memref_slice %arg2[%add3A_30, %add3A_460, %dma_wait3A_523] : memref<16x4096x128xf32, #tpu.memory_space<hbm>> -> memref<1x128x128xf32, #tpu.memory_space<hbm>>
    %dma_wait3A_525 = tpu.memref_squeeze %dma_wait3A_524 : memref<1x128x128xf32, #tpu.memory_space<hbm>> -> memref<128x128xf32, #tpu.memory_space<hbm>>
    %dma_wait3A_526 = arith.constant 0 : i32
    %dma_wait3A_527 = tpu.memref_slice %arg2[%add3A_30, %add3A_460, %dma_wait3A_526] : memref<16x4096x128xf32, #tpu.memory_space<hbm>> -> memref<1x128x128xf32, #tpu.memory_space<hbm>>
    %dma_wait3A_528 = tpu.memref_squeeze %dma_wait3A_527 : memref<1x128x128xf32, #tpu.memory_space<hbm>> -> memref<128x128xf32, #tpu.memory_space<hbm>>
    tpu.wait_dma2 semaphore(%arg11 : memref<!tpu.dma_semaphore, #tpu.memory_space<semaphore_mem>>) src(%dma_wait3A_528 : memref<128x128xf32, #tpu.memory_space<hbm>>) dst(%arg6 : memref<128x128xf32, #tpu.memory_space<vmem>>)
    %dma_start3A_529 = arith.constant 10 : i32
    %dma_start3A_530 = arith.constant 0 : i32
    %dma_start3A_531 = tpu.memref_slice %arg8[%dma_start3A_529, %dma_start3A_530] : memref<16x128xi32, #tpu.memory_space<vmem>> -> memref<1x128xi32, #tpu.memory_space<vmem>>
    %dma_start3A_532 = tpu.memref_squeeze %dma_start3A_531 : memref<1x128xi32, #tpu.memory_space<vmem>> -> memref<128xi32, #tpu.memory_space<vmem>>
    %dma_start3A_533 = arith.constant 0 : i32
    %dma_start3A_534 = arith.constant 0 : i32
    %dma_start3A_535 = tpu.memref_slice %arg17[%dma_start3A_533, %dma_start3A_534] : memref<8192x128xf32, #tpu.memory_space<vmem_shared>> -> memref<8192x128xf32, #tpu.memory_space<vmem_shared>>
    tpu.enqueue_indirect_dma source(%arg6 : memref<128x128xf32, #tpu.memory_space<vmem>>) target(%dma_start3A_535 : memref<8192x128xf32, #tpu.memory_space<vmem_shared>>) offsets(%dma_start3A_532 : memref<128xi32, #tpu.memory_space<vmem>>) semaphore(%arg13 : memref<!tpu.dma_semaphore, #tpu.memory_space<semaphore_mem>>) {add = true}
    %dma_wait3A_536 = arith.constant 10 : i32
    %dma_wait3A_537 = arith.constant 0 : i32
    %dma_wait3A_538 = tpu.memref_slice %arg8[%dma_wait3A_536, %dma_wait3A_537] : memref<16x128xi32, #tpu.memory_space<vmem>> -> memref<1x128xi32, #tpu.memory_space<vmem>>
    %dma_wait3A_539 = tpu.memref_squeeze %dma_wait3A_538 : memref<1x128xi32, #tpu.memory_space<vmem>> -> memref<128xi32, #tpu.memory_space<vmem>>
    %dma_wait3A_540 = arith.constant 0 : i32
    %dma_wait3A_541 = arith.constant 0 : i32
    %dma_wait3A_542 = tpu.memref_slice %arg17[%dma_wait3A_540, %dma_wait3A_541] : memref<8192x128xf32, #tpu.memory_space<vmem_shared>> -> memref<8192x128xf32, #tpu.memory_space<vmem_shared>>
    tpu.wait_indirect_dma semaphore(%arg13 : memref<!tpu.dma_semaphore, #tpu.memory_space<semaphore_mem>>) src(%arg6 : memref<128x128xf32, #tpu.memory_space<vmem>>) dst(%dma_wait3A_542 : memref<8192x128xf32, #tpu.memory_space<vmem_shared>>)
    %add3A_543 = arith.constant 1664 : i32
    %add3A_544 = arith.addi %mul3A_32, %add3A_543 : i32
    %dma_start3A_545 = arith.constant 0 : i32
    %dma_start3A_546 = tpu.memref_slice %arg2[%add3A_30, %add3A_544, %dma_start3A_545] : memref<16x4096x128xf32, #tpu.memory_space<hbm>> -> memref<1x128x128xf32, #tpu.memory_space<hbm>>
    %dma_start3A_547 = tpu.memref_squeeze %dma_start3A_546 : memref<1x128x128xf32, #tpu.memory_space<hbm>> -> memref<128x128xf32, #tpu.memory_space<hbm>>
    %dma_start3A_548 = arith.constant 0 : i32
    %dma_start3A_549 = tpu.memref_slice %arg2[%add3A_30, %add3A_544, %dma_start3A_548] : memref<16x4096x128xf32, #tpu.memory_space<hbm>> -> memref<1x128x128xf32, #tpu.memory_space<hbm>>
    %dma_start3A_550 = tpu.memref_squeeze %dma_start3A_549 : memref<1x128x128xf32, #tpu.memory_space<hbm>> -> memref<128x128xf32, #tpu.memory_space<hbm>>
    tpu.enqueue_dma source(%dma_start3A_550 : memref<128x128xf32, #tpu.memory_space<hbm>>) target(%arg6 : memref<128x128xf32, #tpu.memory_space<vmem>>) target_semaphore(%arg11 : memref<!tpu.dma_semaphore, #tpu.memory_space<semaphore_mem>>)
    %dma_wait3A_551 = arith.constant 0 : i32
    %dma_wait3A_552 = tpu.memref_slice %arg2[%add3A_30, %add3A_488, %dma_wait3A_551] : memref<16x4096x128xf32, #tpu.memory_space<hbm>> -> memref<1x128x128xf32, #tpu.memory_space<hbm>>
    %dma_wait3A_553 = tpu.memref_squeeze %dma_wait3A_552 : memref<1x128x128xf32, #tpu.memory_space<hbm>> -> memref<128x128xf32, #tpu.memory_space<hbm>>
    %dma_wait3A_554 = arith.constant 0 : i32
    %dma_wait3A_555 = tpu.memref_slice %arg2[%add3A_30, %add3A_488, %dma_wait3A_554] : memref<16x4096x128xf32, #tpu.memory_space<hbm>> -> memref<1x128x128xf32, #tpu.memory_space<hbm>>
    %dma_wait3A_556 = tpu.memref_squeeze %dma_wait3A_555 : memref<1x128x128xf32, #tpu.memory_space<hbm>> -> memref<128x128xf32, #tpu.memory_space<hbm>>
    tpu.wait_dma2 semaphore(%arg12 : memref<!tpu.dma_semaphore, #tpu.memory_space<semaphore_mem>>) src(%dma_wait3A_556 : memref<128x128xf32, #tpu.memory_space<hbm>>) dst(%arg7 : memref<128x128xf32, #tpu.memory_space<vmem>>)
    %dma_start3A_557 = arith.constant 11 : i32
    %dma_start3A_558 = arith.constant 0 : i32
    %dma_start3A_559 = tpu.memref_slice %arg8[%dma_start3A_557, %dma_start3A_558] : memref<16x128xi32, #tpu.memory_space<vmem>> -> memref<1x128xi32, #tpu.memory_space<vmem>>
    %dma_start3A_560 = tpu.memref_squeeze %dma_start3A_559 : memref<1x128xi32, #tpu.memory_space<vmem>> -> memref<128xi32, #tpu.memory_space<vmem>>
    %dma_start3A_561 = arith.constant 0 : i32
    %dma_start3A_562 = arith.constant 0 : i32
    %dma_start3A_563 = tpu.memref_slice %arg17[%dma_start3A_561, %dma_start3A_562] : memref<8192x128xf32, #tpu.memory_space<vmem_shared>> -> memref<8192x128xf32, #tpu.memory_space<vmem_shared>>
    tpu.enqueue_indirect_dma source(%arg7 : memref<128x128xf32, #tpu.memory_space<vmem>>) target(%dma_start3A_563 : memref<8192x128xf32, #tpu.memory_space<vmem_shared>>) offsets(%dma_start3A_560 : memref<128xi32, #tpu.memory_space<vmem>>) semaphore(%arg13 : memref<!tpu.dma_semaphore, #tpu.memory_space<semaphore_mem>>) {add = true}
    %dma_wait3A_564 = arith.constant 11 : i32
    %dma_wait3A_565 = arith.constant 0 : i32
    %dma_wait3A_566 = tpu.memref_slice %arg8[%dma_wait3A_564, %dma_wait3A_565] : memref<16x128xi32, #tpu.memory_space<vmem>> -> memref<1x128xi32, #tpu.memory_space<vmem>>
    %dma_wait3A_567 = tpu.memref_squeeze %dma_wait3A_566 : memref<1x128xi32, #tpu.memory_space<vmem>> -> memref<128xi32, #tpu.memory_space<vmem>>
    %dma_wait3A_568 = arith.constant 0 : i32
    %dma_wait3A_569 = arith.constant 0 : i32
    %dma_wait3A_570 = tpu.memref_slice %arg17[%dma_wait3A_568, %dma_wait3A_569] : memref<8192x128xf32, #tpu.memory_space<vmem_shared>> -> memref<8192x128xf32, #tpu.memory_space<vmem_shared>>
    tpu.wait_indirect_dma semaphore(%arg13 : memref<!tpu.dma_semaphore, #tpu.memory_space<semaphore_mem>>) src(%arg7 : memref<128x128xf32, #tpu.memory_space<vmem>>) dst(%dma_wait3A_570 : memref<8192x128xf32, #tpu.memory_space<vmem_shared>>)
    %add3A_571 = arith.constant 1792 : i32
    %add3A_572 = arith.addi %mul3A_32, %add3A_571 : i32
    %dma_start3A_573 = arith.constant 0 : i32
    %dma_start3A_574 = tpu.memref_slice %arg2[%add3A_30, %add3A_572, %dma_start3A_573] : memref<16x4096x128xf32, #tpu.memory_space<hbm>> -> memref<1x128x128xf32, #tpu.memory_space<hbm>>
    %dma_start3A_575 = tpu.memref_squeeze %dma_start3A_574 : memref<1x128x128xf32, #tpu.memory_space<hbm>> -> memref<128x128xf32, #tpu.memory_space<hbm>>
    %dma_start3A_576 = arith.constant 0 : i32
    %dma_start3A_577 = tpu.memref_slice %arg2[%add3A_30, %add3A_572, %dma_start3A_576] : memref<16x4096x128xf32, #tpu.memory_space<hbm>> -> memref<1x128x128xf32, #tpu.memory_space<hbm>>
    %dma_start3A_578 = tpu.memref_squeeze %dma_start3A_577 : memref<1x128x128xf32, #tpu.memory_space<hbm>> -> memref<128x128xf32, #tpu.memory_space<hbm>>
    tpu.enqueue_dma source(%dma_start3A_578 : memref<128x128xf32, #tpu.memory_space<hbm>>) target(%arg7 : memref<128x128xf32, #tpu.memory_space<vmem>>) target_semaphore(%arg12 : memref<!tpu.dma_semaphore, #tpu.memory_space<semaphore_mem>>)
    %dma_wait3A_579 = arith.constant 0 : i32
    %dma_wait3A_580 = tpu.memref_slice %arg2[%add3A_30, %add3A_516, %dma_wait3A_579] : memref<16x4096x128xf32, #tpu.memory_space<hbm>> -> memref<1x128x128xf32, #tpu.memory_space<hbm>>
    %dma_wait3A_581 = tpu.memref_squeeze %dma_wait3A_580 : memref<1x128x128xf32, #tpu.memory_space<hbm>> -> memref<128x128xf32, #tpu.memory_space<hbm>>
    %dma_wait3A_582 = arith.constant 0 : i32
    %dma_wait3A_583 = tpu.memref_slice %arg2[%add3A_30, %add3A_516, %dma_wait3A_582] : memref<16x4096x128xf32, #tpu.memory_space<hbm>> -> memref<1x128x128xf32, #tpu.memory_space<hbm>>
    %dma_wait3A_584 = tpu.memref_squeeze %dma_wait3A_583 : memref<1x128x128xf32, #tpu.memory_space<hbm>> -> memref<128x128xf32, #tpu.memory_space<hbm>>
    tpu.wait_dma2 semaphore(%arg10 : memref<!tpu.dma_semaphore, #tpu.memory_space<semaphore_mem>>) src(%dma_wait3A_584 : memref<128x128xf32, #tpu.memory_space<hbm>>) dst(%arg5 : memref<128x128xf32, #tpu.memory_space<vmem>>)
    %dma_start3A_585 = arith.constant 12 : i32
    %dma_start3A_586 = arith.constant 0 : i32
    %dma_start3A_587 = tpu.memref_slice %arg8[%dma_start3A_585, %dma_start3A_586] : memref<16x128xi32, #tpu.memory_space<vmem>> -> memref<1x128xi32, #tpu.memory_space<vmem>>
    %dma_start3A_588 = tpu.memref_squeeze %dma_start3A_587 : memref<1x128xi32, #tpu.memory_space<vmem>> -> memref<128xi32, #tpu.memory_space<vmem>>
    %dma_start3A_589 = arith.constant 0 : i32
    %dma_start3A_590 = arith.constant 0 : i32
    %dma_start3A_591 = tpu.memref_slice %arg17[%dma_start3A_589, %dma_start3A_590] : memref<8192x128xf32, #tpu.memory_space<vmem_shared>> -> memref<8192x128xf32, #tpu.memory_space<vmem_shared>>
    tpu.enqueue_indirect_dma source(%arg5 : memref<128x128xf32, #tpu.memory_space<vmem>>) target(%dma_start3A_591 : memref<8192x128xf32, #tpu.memory_space<vmem_shared>>) offsets(%dma_start3A_588 : memref<128xi32, #tpu.memory_space<vmem>>) semaphore(%arg13 : memref<!tpu.dma_semaphore, #tpu.memory_space<semaphore_mem>>) {add = true}
    %dma_wait3A_592 = arith.constant 12 : i32
    %dma_wait3A_593 = arith.constant 0 : i32
    %dma_wait3A_594 = tpu.memref_slice %arg8[%dma_wait3A_592, %dma_wait3A_593] : memref<16x128xi32, #tpu.memory_space<vmem>> -> memref<1x128xi32, #tpu.memory_space<vmem>>
    %dma_wait3A_595 = tpu.memref_squeeze %dma_wait3A_594 : memref<1x128xi32, #tpu.memory_space<vmem>> -> memref<128xi32, #tpu.memory_space<vmem>>
    %dma_wait3A_596 = arith.constant 0 : i32
    %dma_wait3A_597 = arith.constant 0 : i32
    %dma_wait3A_598 = tpu.memref_slice %arg17[%dma_wait3A_596, %dma_wait3A_597] : memref<8192x128xf32, #tpu.memory_space<vmem_shared>> -> memref<8192x128xf32, #tpu.memory_space<vmem_shared>>
    tpu.wait_indirect_dma semaphore(%arg13 : memref<!tpu.dma_semaphore, #tpu.memory_space<semaphore_mem>>) src(%arg5 : memref<128x128xf32, #tpu.memory_space<vmem>>) dst(%dma_wait3A_598 : memref<8192x128xf32, #tpu.memory_space<vmem_shared>>)
    %add3A_599 = arith.constant 1920 : i32
    %add3A_600 = arith.addi %mul3A_32, %add3A_599 : i32
    %dma_start3A_601 = arith.constant 0 : i32
    %dma_start3A_602 = tpu.memref_slice %arg2[%add3A_30, %add3A_600, %dma_start3A_601] : memref<16x4096x128xf32, #tpu.memory_space<hbm>> -> memref<1x128x128xf32, #tpu.memory_space<hbm>>
    %dma_start3A_603 = tpu.memref_squeeze %dma_start3A_602 : memref<1x128x128xf32, #tpu.memory_space<hbm>> -> memref<128x128xf32, #tpu.memory_space<hbm>>
    %dma_start3A_604 = arith.constant 0 : i32
    %dma_start3A_605 = tpu.memref_slice %arg2[%add3A_30, %add3A_600, %dma_start3A_604] : memref<16x4096x128xf32, #tpu.memory_space<hbm>> -> memref<1x128x128xf32, #tpu.memory_space<hbm>>
    %dma_start3A_606 = tpu.memref_squeeze %dma_start3A_605 : memref<1x128x128xf32, #tpu.memory_space<hbm>> -> memref<128x128xf32, #tpu.memory_space<hbm>>
    tpu.enqueue_dma source(%dma_start3A_606 : memref<128x128xf32, #tpu.memory_space<hbm>>) target(%arg5 : memref<128x128xf32, #tpu.memory_space<vmem>>) target_semaphore(%arg10 : memref<!tpu.dma_semaphore, #tpu.memory_space<semaphore_mem>>)
    %dma_wait3A_607 = arith.constant 0 : i32
    %dma_wait3A_608 = tpu.memref_slice %arg2[%add3A_30, %add3A_544, %dma_wait3A_607] : memref<16x4096x128xf32, #tpu.memory_space<hbm>> -> memref<1x128x128xf32, #tpu.memory_space<hbm>>
    %dma_wait3A_609 = tpu.memref_squeeze %dma_wait3A_608 : memref<1x128x128xf32, #tpu.memory_space<hbm>> -> memref<128x128xf32, #tpu.memory_space<hbm>>
    %dma_wait3A_610 = arith.constant 0 : i32
    %dma_wait3A_611 = tpu.memref_slice %arg2[%add3A_30, %add3A_544, %dma_wait3A_610] : memref<16x4096x128xf32, #tpu.memory_space<hbm>> -> memref<1x128x128xf32, #tpu.memory_space<hbm>>
    %dma_wait3A_612 = tpu.memref_squeeze %dma_wait3A_611 : memref<1x128x128xf32, #tpu.memory_space<hbm>> -> memref<128x128xf32, #tpu.memory_space<hbm>>
    tpu.wait_dma2 semaphore(%arg11 : memref<!tpu.dma_semaphore, #tpu.memory_space<semaphore_mem>>) src(%dma_wait3A_612 : memref<128x128xf32, #tpu.memory_space<hbm>>) dst(%arg6 : memref<128x128xf32, #tpu.memory_space<vmem>>)
    %dma_start3A_613 = arith.constant 13 : i32
    %dma_start3A_614 = arith.constant 0 : i32
    %dma_start3A_615 = tpu.memref_slice %arg8[%dma_start3A_613, %dma_start3A_614] : memref<16x128xi32, #tpu.memory_space<vmem>> -> memref<1x128xi32, #tpu.memory_space<vmem>>
    %dma_start3A_616 = tpu.memref_squeeze %dma_start3A_615 : memref<1x128xi32, #tpu.memory_space<vmem>> -> memref<128xi32, #tpu.memory_space<vmem>>
    %dma_start3A_617 = arith.constant 0 : i32
    %dma_start3A_618 = arith.constant 0 : i32
    %dma_start3A_619 = tpu.memref_slice %arg17[%dma_start3A_617, %dma_start3A_618] : memref<8192x128xf32, #tpu.memory_space<vmem_shared>> -> memref<8192x128xf32, #tpu.memory_space<vmem_shared>>
    tpu.enqueue_indirect_dma source(%arg6 : memref<128x128xf32, #tpu.memory_space<vmem>>) target(%dma_start3A_619 : memref<8192x128xf32, #tpu.memory_space<vmem_shared>>) offsets(%dma_start3A_616 : memref<128xi32, #tpu.memory_space<vmem>>) semaphore(%arg13 : memref<!tpu.dma_semaphore, #tpu.memory_space<semaphore_mem>>) {add = true}
    %dma_wait3A_620 = arith.constant 13 : i32
    %dma_wait3A_621 = arith.constant 0 : i32
    %dma_wait3A_622 = tpu.memref_slice %arg8[%dma_wait3A_620, %dma_wait3A_621] : memref<16x128xi32, #tpu.memory_space<vmem>> -> memref<1x128xi32, #tpu.memory_space<vmem>>
    %dma_wait3A_623 = tpu.memref_squeeze %dma_wait3A_622 : memref<1x128xi32, #tpu.memory_space<vmem>> -> memref<128xi32, #tpu.memory_space<vmem>>
    %dma_wait3A_624 = arith.constant 0 : i32
    %dma_wait3A_625 = arith.constant 0 : i32
    %dma_wait3A_626 = tpu.memref_slice %arg17[%dma_wait3A_624, %dma_wait3A_625] : memref<8192x128xf32, #tpu.memory_space<vmem_shared>> -> memref<8192x128xf32, #tpu.memory_space<vmem_shared>>
    tpu.wait_indirect_dma semaphore(%arg13 : memref<!tpu.dma_semaphore, #tpu.memory_space<semaphore_mem>>) src(%arg6 : memref<128x128xf32, #tpu.memory_space<vmem>>) dst(%dma_wait3A_626 : memref<8192x128xf32, #tpu.memory_space<vmem_shared>>)
    %dma_wait3A_627 = arith.constant 0 : i32
    %dma_wait3A_628 = tpu.memref_slice %arg2[%add3A_30, %add3A_572, %dma_wait3A_627] : memref<16x4096x128xf32, #tpu.memory_space<hbm>> -> memref<1x128x128xf32, #tpu.memory_space<hbm>>
    %dma_wait3A_629 = tpu.memref_squeeze %dma_wait3A_628 : memref<1x128x128xf32, #tpu.memory_space<hbm>> -> memref<128x128xf32, #tpu.memory_space<hbm>>
    %dma_wait3A_630 = arith.constant 0 : i32
    %dma_wait3A_631 = tpu.memref_slice %arg2[%add3A_30, %add3A_572, %dma_wait3A_630] : memref<16x4096x128xf32, #tpu.memory_space<hbm>> -> memref<1x128x128xf32, #tpu.memory_space<hbm>>
    %dma_wait3A_632 = tpu.memref_squeeze %dma_wait3A_631 : memref<1x128x128xf32, #tpu.memory_space<hbm>> -> memref<128x128xf32, #tpu.memory_space<hbm>>
    tpu.wait_dma2 semaphore(%arg12 : memref<!tpu.dma_semaphore, #tpu.memory_space<semaphore_mem>>) src(%dma_wait3A_632 : memref<128x128xf32, #tpu.memory_space<hbm>>) dst(%arg7 : memref<128x128xf32, #tpu.memory_space<vmem>>)
    %dma_start3A_633 = arith.constant 14 : i32
    %dma_start3A_634 = arith.constant 0 : i32
    %dma_start3A_635 = tpu.memref_slice %arg8[%dma_start3A_633, %dma_start3A_634] : memref<16x128xi32, #tpu.memory_space<vmem>> -> memref<1x128xi32, #tpu.memory_space<vmem>>
    %dma_start3A_636 = tpu.memref_squeeze %dma_start3A_635 : memref<1x128xi32, #tpu.memory_space<vmem>> -> memref<128xi32, #tpu.memory_space<vmem>>
    %dma_start3A_637 = arith.constant 0 : i32
    %dma_start3A_638 = arith.constant 0 : i32
    %dma_start3A_639 = tpu.memref_slice %arg17[%dma_start3A_637, %dma_start3A_638] : memref<8192x128xf32, #tpu.memory_space<vmem_shared>> -> memref<8192x128xf32, #tpu.memory_space<vmem_shared>>
    tpu.enqueue_indirect_dma source(%arg7 : memref<128x128xf32, #tpu.memory_space<vmem>>) target(%dma_start3A_639 : memref<8192x128xf32, #tpu.memory_space<vmem_shared>>) offsets(%dma_start3A_636 : memref<128xi32, #tpu.memory_space<vmem>>) semaphore(%arg13 : memref<!tpu.dma_semaphore, #tpu.memory_space<semaphore_mem>>) {add = true}
    %dma_wait3A_640 = arith.constant 14 : i32
    %dma_wait3A_641 = arith.constant 0 : i32
    %dma_wait3A_642 = tpu.memref_slice %arg8[%dma_wait3A_640, %dma_wait3A_641] : memref<16x128xi32, #tpu.memory_space<vmem>> -> memref<1x128xi32, #tpu.memory_space<vmem>>
    %dma_wait3A_643 = tpu.memref_squeeze %dma_wait3A_642 : memref<1x128xi32, #tpu.memory_space<vmem>> -> memref<128xi32, #tpu.memory_space<vmem>>
    %dma_wait3A_644 = arith.constant 0 : i32
    %dma_wait3A_645 = arith.constant 0 : i32
    %dma_wait3A_646 = tpu.memref_slice %arg17[%dma_wait3A_644, %dma_wait3A_645] : memref<8192x128xf32, #tpu.memory_space<vmem_shared>> -> memref<8192x128xf32, #tpu.memory_space<vmem_shared>>
    tpu.wait_indirect_dma semaphore(%arg13 : memref<!tpu.dma_semaphore, #tpu.memory_space<semaphore_mem>>) src(%arg7 : memref<128x128xf32, #tpu.memory_space<vmem>>) dst(%dma_wait3A_646 : memref<8192x128xf32, #tpu.memory_space<vmem_shared>>)
    %dma_wait3A_647 = arith.constant 0 : i32
    %dma_wait3A_648 = tpu.memref_slice %arg2[%add3A_30, %add3A_600, %dma_wait3A_647] : memref<16x4096x128xf32, #tpu.memory_space<hbm>> -> memref<1x128x128xf32, #tpu.memory_space<hbm>>
    %dma_wait3A_649 = tpu.memref_squeeze %dma_wait3A_648 : memref<1x128x128xf32, #tpu.memory_space<hbm>> -> memref<128x128xf32, #tpu.memory_space<hbm>>
    %dma_wait3A_650 = arith.constant 0 : i32
    %dma_wait3A_651 = tpu.memref_slice %arg2[%add3A_30, %add3A_600, %dma_wait3A_650] : memref<16x4096x128xf32, #tpu.memory_space<hbm>> -> memref<1x128x128xf32, #tpu.memory_space<hbm>>
    %dma_wait3A_652 = tpu.memref_squeeze %dma_wait3A_651 : memref<1x128x128xf32, #tpu.memory_space<hbm>> -> memref<128x128xf32, #tpu.memory_space<hbm>>
    tpu.wait_dma2 semaphore(%arg10 : memref<!tpu.dma_semaphore, #tpu.memory_space<semaphore_mem>>) src(%dma_wait3A_652 : memref<128x128xf32, #tpu.memory_space<hbm>>) dst(%arg5 : memref<128x128xf32, #tpu.memory_space<vmem>>)
    %dma_start3A_653 = arith.constant 15 : i32
    %dma_start3A_654 = arith.constant 0 : i32
    %dma_start3A_655 = tpu.memref_slice %arg8[%dma_start3A_653, %dma_start3A_654] : memref<16x128xi32, #tpu.memory_space<vmem>> -> memref<1x128xi32, #tpu.memory_space<vmem>>
    %dma_start3A_656 = tpu.memref_squeeze %dma_start3A_655 : memref<1x128xi32, #tpu.memory_space<vmem>> -> memref<128xi32, #tpu.memory_space<vmem>>
    %dma_start3A_657 = arith.constant 0 : i32
    %dma_start3A_658 = arith.constant 0 : i32
    %dma_start3A_659 = tpu.memref_slice %arg17[%dma_start3A_657, %dma_start3A_658] : memref<8192x128xf32, #tpu.memory_space<vmem_shared>> -> memref<8192x128xf32, #tpu.memory_space<vmem_shared>>
    tpu.enqueue_indirect_dma source(%arg5 : memref<128x128xf32, #tpu.memory_space<vmem>>) target(%dma_start3A_659 : memref<8192x128xf32, #tpu.memory_space<vmem_shared>>) offsets(%dma_start3A_656 : memref<128xi32, #tpu.memory_space<vmem>>) semaphore(%arg13 : memref<!tpu.dma_semaphore, #tpu.memory_space<semaphore_mem>>) {add = true}
    %dma_wait3A_660 = arith.constant 15 : i32
    %dma_wait3A_661 = arith.constant 0 : i32
    %dma_wait3A_662 = tpu.memref_slice %arg8[%dma_wait3A_660, %dma_wait3A_661] : memref<16x128xi32, #tpu.memory_space<vmem>> -> memref<1x128xi32, #tpu.memory_space<vmem>>
    %dma_wait3A_663 = tpu.memref_squeeze %dma_wait3A_662 : memref<1x128xi32, #tpu.memory_space<vmem>> -> memref<128xi32, #tpu.memory_space<vmem>>
    %dma_wait3A_664 = arith.constant 0 : i32
    %dma_wait3A_665 = arith.constant 0 : i32
    %dma_wait3A_666 = tpu.memref_slice %arg17[%dma_wait3A_664, %dma_wait3A_665] : memref<8192x128xf32, #tpu.memory_space<vmem_shared>> -> memref<8192x128xf32, #tpu.memory_space<vmem_shared>>
    tpu.wait_indirect_dma semaphore(%arg13 : memref<!tpu.dma_semaphore, #tpu.memory_space<semaphore_mem>>) src(%arg5 : memref<128x128xf32, #tpu.memory_space<vmem>>) dst(%dma_wait3A_666 : memref<8192x128xf32, #tpu.memory_space<vmem_shared>>)
    %barrier3A_667 = arith.constant 0 : index
    tpu.barrier barrier_id(%barrier3A_667)
    %mul3A_668 = arith.constant 512 : i32
    %mul3A_669 = arith.muli %select_n3A_28, %mul3A_668 : i32
    "tpu.region"() ({
      %run_scoped3A = tpu.sem_alloc : memref<!tpu.dma_semaphore, #tpu.memory_space<semaphore_mem>>
      %dma_start3A_670 = arith.constant 0 : i32
      %dma_start3A_671 = tpu.memref_slice %arg4[%add3A_30, %mul3A_669, %dma_start3A_670] : memref<16x1024x128xf32, #tpu.memory_space<hbm>> -> memref<1x512x128xf32, #tpu.memory_space<hbm>>
      %dma_start3A_672 = tpu.memref_squeeze %dma_start3A_671 : memref<1x512x128xf32, #tpu.memory_space<hbm>> -> memref<512x128xf32, #tpu.memory_space<hbm>>
      %dma_start3A_673 = arith.constant 0 : i32
      %dma_start3A_674 = tpu.memref_slice %arg17[%add3A_37, %dma_start3A_673] : memref<8192x128xf32, #tpu.memory_space<vmem_shared>> -> memref<512x128xf32, #tpu.memory_space<vmem_shared>>
      tpu.enqueue_dma source(%dma_start3A_674 : memref<512x128xf32, #tpu.memory_space<vmem_shared>>) target(%dma_start3A_672 : memref<512x128xf32, #tpu.memory_space<hbm>>) target_semaphore(%run_scoped3A : memref<!tpu.dma_semaphore, #tpu.memory_space<semaphore_mem>>)
      %dma_wait3A_675 = arith.constant 0 : i32
      %dma_wait3A_676 = tpu.memref_slice %arg4[%add3A_30, %mul3A_669, %dma_wait3A_675] : memref<16x1024x128xf32, #tpu.memory_space<hbm>> -> memref<1x512x128xf32, #tpu.memory_space<hbm>>
      %dma_wait3A_677 = tpu.memref_squeeze %dma_wait3A_676 : memref<1x512x128xf32, #tpu.memory_space<hbm>> -> memref<512x128xf32, #tpu.memory_space<hbm>>
      %dma_wait3A_678 = arith.constant 0 : i32
      %dma_wait3A_679 = tpu.memref_slice %arg17[%add3A_37, %dma_wait3A_678] : memref<8192x128xf32, #tpu.memory_space<vmem_shared>> -> memref<512x128xf32, #tpu.memory_space<vmem_shared>>
      tpu.wait_dma2 semaphore(%run_scoped3A : memref<!tpu.dma_semaphore, #tpu.memory_space<semaphore_mem>>) src(%dma_wait3A_679 : memref<512x128xf32, #tpu.memory_space<vmem_shared>>) dst(%dma_wait3A_677 : memref<512x128xf32, #tpu.memory_space<hbm>>)
      tpu.yield
    }) : () -> ()
    return
  }
}

</mosaic_0001>

<sc_bundles>
// kernel: kernel.3.cloned.1.call-start
scs
__scs_entry_jumppad:
0x0: {  	(pc) =	sbr.rel $0x88, $3  }
0x1: {  	(tag) =	ssettag $0x0;
	lr =	simm.s32 $0x1  }
0x2: {  	[smem:$0x3F9F] =	sst lr;
	_ =	strace $0xD0000000  }
0x3: {  	_ = 	snop  }
0x4: {  	_ = 	snop  }
0x5: {  	_ = 	snop  }
0x6: {  	_ = 	snop  }
0x7: {  	_ = 	snop  }
__scs_overlays_trampoline_lowered:
0x8: {  	[smem:$0x3FAE] =	sst s0  }
0x9: {  	[smem:$0x3FAF] =	sst s1  }
0xa: {  	[smem:$0x3FB0] =	sst s2  }
0xb: {  	[smem:$0x3FB1] =	sst s3  }
0xc: {  	[smem:$0x3FB2] =	sst s4  }
0xd: {  	[smem:$0x3FB3] =	sst s5  }
0xe: {  	[smem:$0x3FB4] =	sst s6  }
0xf: {  	[smem:$0x3FB5] =	sst s7  }
0x10: {  	[smem:$0x3FB6] =	sst s8  }
0x11: {  	[smem:$0x3FB7] =	sst s9;
	s0 =	simm.s32 @!p0 $0x0  }
0x12: {  	s1 =	sld [smem:$0x3F9D];
	s0 =	simm.s32 @p0 $0x1  }
0x13: {  	[smem:$0x3FB8] =	sst s0;
	s0 =	simm.s32 @!p1 $0x0  }
0x14: {  	s2 =	sld [smem:$0x3F9C];
	s0 =	simm.s32 @p1 $0x1  }
0x15: {  	[smem:$0x3FB9] =	sst s0;
	s0 =	simm.s32 @!p2 $0x0  }
0x16: {  	s3 =	sld [smem:$0x3FDB];
	s0 =	simm.s32 @p2 $0x1  }
0x17: {  	s4 =	simm.s32 $0x1BF5;
	[smem:$0x3FBB] =	sst s0  }
0x18: {  	s0 =	sld [smem:$0x3F9E];
	_ =	swait.ge [sflag:s4], $0x0  }
0x19: {  	s7 =	sld [smem:$0x3F9F]  }
0x1a: {  	s8 =	sadd.s32 $0xFFFFE003, lr  }
0x1b: {  	s9 =	sadd.s32 $0xFFFFFEF7, lr;
	s5 =	simm.s32 $0xFFFFFFFF;
	p2 =	slt.u32 s8, $0xFFFFF086  }
0x1c: {  	p1 =	slt.u32 s9, $0xF7A;
	s5 =	simm.s32 @!p2 $0x0  }
0x1d: {  	s5 =	simm.s32 @p1 $0x1;
	p0 =	seq.s32 s7, s2  }
0x1e: {  	s7 =	smul.u32 @!p0 $0xF7A, s2;
	p2 =	seq.s32 @!p0 s5, $0x0  }
0x1f: {  	s9 =	smul.u32 $0xF7A, s1;
	s8 =	simm.s32 @!p0 $0x1BF5;
	p2 =	por !p2, p0  }
0x20: {  	[sflag:s8] =	ssyncset.s32 @!p0 $0xFFFFF086;
	s6 =	sadd.s32 @!p0 s3, s7;
	s7 =	simm.s32 @!p0 $0x108  }
0x21: {  	s3 =	sadd.s32 s3, s9;
	s6 =	sadd.s32 @!p0 $0x88, s6;
	s7 =	simm.s32 @p2 $0x1082  }
0x22: {  	[simem:s7], [sflag:s8] =	dma.local @!p0 [hbm:s6], $0xF7A  }
0x23: {  	s9 =	sor.u32 $0xD0000000, s2;
	s6 =	simm.s32 $0x108;
	_ =	swait.ge @!p0 [sflag:s8], $0x0  }
0x24: {  	s3 =	sadd.s32 $0x88, s3;
	s6 =	simm.s32 @!p1 $0x1082;
	[sflag:s4] =	ssyncset.s32 $0xFFFFF086  }
0x25: {  	[simem:s6], [sflag:s4] =	dma.local [hbm:s3], $0xF7A  }
0x26: {  	[smem:$0x3F9F] =	sst s1;
	(tag) =	ssettag s2;
	_ =	strace s9  }
0x27: {  	s1 =	sld [smem:$0x3FAF]  }
0x28: {  	s2 =	sld [smem:$0x3FB0]  }
0x29: {  	s4 =	sld [smem:$0x3FB2]  }
0x2a: {  	p0 =	seq.s32 s5, $0x0;
	s5 =	sld [smem:$0x3FB3]  }
0x2b: {  	s6 =	sld [smem:$0x3FB4]  }
0x2c: {  	s7 =	sld [smem:$0x3FB5]  }
0x2d: {  	s3 =	simm.s32 $0x108;
	s8 =	sld [smem:$0x3FB6]  }
0x2e: {  	s3 =	simm.s32 @!p0 $0x1082;
	s9 =	sld [smem:$0x3FB7]  }
0x2f: {  	lr =	sadd.s32 s0, s3;
	s0 =	sld [smem:$0x3FAE]  }
0x30: {  	s3 =	sld [smem:$0x3FB1]  }
0x31: {  	[smem:$0x3FBA] =	sst s10  }
0x32: {  	s10 =	sld [smem:$0x3FB8];
	_ =	sdelay $0x3  }
0x33: {  	p0 =	seq.s32 s10, $0x1;
	s10 =	sld [smem:$0x3FBA];
	_ =	sdelay $0x3  }
0x34: {  	[smem:$0x3FBA] =	sst s10  }
0x35: {  	s10 =	sld [smem:$0x3FB9];
	_ =	sdelay $0x3  }
0x36: {  	p1 =	seq.s32 s10, $0x1;
	s10 =	sld [smem:$0x3FBA];
	_ =	sdelay $0x3  }
0x37: {  	[smem:$0x3FBA] =	sst s10  }
0x38: {  	s10 =	sld [smem:$0x3FBB]  }
0x39: {  	_ = 	snop;
	(pc) =	sbr.ind lr, $3  }
0x3a: {  	_ = 	snop  }
0x3b: {  	_ = 	snop  }
0x3c: {  	p2 =	seq.s32 s10, $0x1;
	s10 =	sld [smem:$0x3FBA]  }
0x3d: {  	_ =	shalt  }
0x3e: {  	_ =	shalt  }
0x3f: {  	_ =	shalt  }
0x40: {  	_ =	shalt  }
0x41: {  	_ =	shalt  }
0x42: {  	_ =	shalt  }
0x43: {  	_ =	shalt  }
0x44: {  	_ =	shalt  }
0x45: {  	_ =	shalt  }
0x46: {  	_ =	shalt  }
0x47: {  	_ =	shalt  }
0x48: {  	_ =	shalt  }
0x49: {  	_ =	shalt  }
0x4a: {  	_ =	shalt  }
0x4b: {  	_ =	shalt  }
0x4c: {  	_ =	shalt  }
0x4d: {  	_ =	shalt  }
0x4e: {  	_ =	shalt  }
0x4f: {  	_ =	shalt  }
0x50: {  	_ =	shalt  }
0x51: {  	_ =	shalt  }
0x52: {  	_ =	shalt  }
0x53: {  	_ =	shalt  }
0x54: {  	_ =	shalt  }
0x55: {  	_ =	shalt  }
0x56: {  	_ =	shalt  }
0x57: {  	_ =	shalt  }
0x58: {  	_ =	shalt  }
0x59: {  	_ =	shalt  }
0x5a: {  	_ =	shalt  }
0x5b: {  	_ =	shalt  }
0x5c: {  	_ =	shalt  }
0x5d: {  	_ =	shalt  }
0x5e: {  	_ =	shalt  }
0x5f: {  	_ =	shalt  }
0x60: {  	_ =	shalt  }
0x61: {  	_ =	shalt  }
0x62: {  	_ =	shalt  }
0x63: {  	_ =	shalt  }
0x64: {  	_ =	shalt  }
0x65: {  	_ =	shalt  }
0x66: {  	_ =	shalt  }
0x67: {  	_ =	shalt  }
0x68: {  	_ =	shalt  }
0x69: {  	_ =	shalt  }
0x6a: {  	_ =	shalt  }
0x6b: {  	_ =	shalt  }
0x6c: {  	_ =	shalt  }
0x6d: {  	_ =	shalt  }
0x6e: {  	_ =	shalt  }
0x6f: {  	_ =	shalt  }
0x70: {  	_ =	shalt  }
0x71: {  	_ =	shalt  }
0x72: {  	_ =	shalt  }
0x73: {  	_ =	shalt  }
0x74: {  	_ =	shalt  }
0x75: {  	_ =	shalt  }
0x76: {  	_ =	shalt  }
0x77: {  	_ =	shalt  }
0x78: {  	_ =	shalt  }
0x79: {  	_ =	shalt  }
0x7a: {  	_ =	shalt  }
0x7b: {  	_ =	shalt  }
0x7c: {  	_ =	shalt  }
0x7d: {  	_ =	shalt  }
0x7e: {  	_ =	shalt  }
0x7f: {  	_ =	shalt  }
0x80: {  	_ =	shalt  }
0x81: {  	_ =	shalt  }
0x82: {  	_ =	shalt  }
0x83: {  	_ =	shalt  }
0x84: {  	_ =	shalt  }
0x85: {  	_ =	shalt  }
0x86: {  	_ =	shalt  }
0x87: {  	_ =	shalt  }
.Lfunc_end0:
.L_simem_size_0:
called_computation_lowered:
.L_overlay_start_0:
0x88: {  	s2 =	sld [smem:$0x3FD9]  }
0x89: {  	s3 =	sld [smem:$0x3FFE];
	_ =	sdelay $0x1  }
0x8a: {  	s1 =	srdreg.scid  }
0x8b: {  	s0 =	sand.u32 $0x1, s1  }
0x8c: {  	s17 =	sshll.u32 s0, $0xA;
	s2 =	sadd.s32 s3, s2  }
0x8d: {  	s2 =	sadd.s32 s2, s17  }
0x8e: {  	[smem:$0x3FC6] =	sst s2  }
0x8f: {  	_ = 	snop  }
0x90: {  	s2 =	sld [smem:$0x3FC9]  }
0x91: {  	s18 =	sld [smem:$0x3FD0];
	(tm) =	ssettm $0x1  }
0x92: {  	s4 =	sld [smem:$0x3FFB];
	_ =	sdelay $0x3  }
0x93: {  	_ =	strace s4  }
0x94: {  	s4 =	sld [smem:$0x3FFC];
	_ =	sdelay $0x3  }
0x95: {  	_ =	strace s4  }
0x96: {  	s4 =	sld [smem:$0x3FFD];
	_ =	sdelay $0x3  }
0x97: {  	_ =	strace s4  }
0x98: {  	_ =	strace $0x8FFFFFFF  }
0x99: {  	s19 =	sld [smem:$0x3FDB];
	_ =	sdelay $0x1  }
0x9a: {  	s5 =	simm.s32 $_scs_section_size  }
0x9b: {  	s6 =	simm.s32 $_size__tile_overlayer_lowered;
	s7 =	simm.s32 $_tile_overlayer_lowered  }
0x9c: {  	s22 =	simm.s32 $0x1BFF;
	s21 =	sshll.u32 s7, $0x1;
	s4 =	sadd.s32 s5, s19  }
0x9d: {  	s8 =	simm.s32 $0x0;
	s20 =	sshll.u32 s6, $0x1;
	s6 =	sadd.s32 s21, s4  }
0x9e: {  	[timem:s8], [sflag:s22] =	dma.local [hbm:s6], s20  }
0x9f: {  	_ =	swait.ge [sflag:s22], s20  }
0xa0: {  	s5 =	ssub.s32 $0x0, s20;
	[sflag:s22] =	ssyncset.done $0x0  }
0xa1: {  	[sflag:s22] =	ssyncadd.s32 s5;
	_ =	sdelay $0x1  }
0xa2: {  	s23 =	simm.s32 $0x1B8B  }
0xa3: {  	_ =	swait.ge [sflag:s23], $0x1  }
0xa4: {  	[sflag:s23] =	ssyncset.done $0x0  }
0xa5: {  	s25 =	simm.s32 $0x1B8E;
	s24 =	sld [smem:$0x3FFE];
	[sflag:s23] =	ssyncadd.s32 $0xFFFFFFFF  }
0xa6: {  	s26 =	simm.s32 $execute0_lowered;
	[smem:$0x3FD2] =	sst s25  }
0xa7: {  	s6 =	sshll.u32 s26, $0x1;
	_ =	strace $0x80000046;
	[dreg:$0x1] =	wrdreg $0xFFFFFFFF  }
0xa8: {  	s28 =	simm.s32 $_size_execute0_lowered;
	s4 =	sadd.s32 s4, s6;
	[dreg:$0x0] =	wrdreg $0x0  }
0xa9: {  	s6 =	sshll.u32 s28, $0x1;
	[dreg:$0x2] =	wrdreg s4  }
0xaa: {  	[dreg:$0x3] =	wrdreg s6  }
0xab: {  	[dreg:$0x4] =	wrdreg $0xC0  }
0xac: {  	_ =	task [dreg:s8], $0x5FFFF  }
0xad: {  	[dreg:$0x1] =	wrdreg $0xFFFFFFFF  }
0xae: {  	[dreg:$0x0] =	wrdreg $0x60  }
0xaf: {  	[dreg:$0x2] =	wrdreg s2  }
0xb0: {  	[dreg:$0x3] =	wrdreg s24  }
0xb1: {  	[dreg:$0x4] =	wrdreg s18  }
0xb2: {  	[dreg:$0x5] =	wrdreg $0xD8000  }
0xb3: {  	[dreg:$0x6] =	wrdreg $0x9  }
0xb4: {  	_ =	task.clear_ibuf [dreg:s8], $0x7FFFF;
	_ =	strace $0x90000046  }
0xb5: {  	s29 =	simm.s32 $0x9;
	_ =	strace $0x80000048  }
0xb6: {  	_ =	swait.ge [sflag:s29], $0x1  }
0xb7: {  	[sflag:s29] =	ssyncadd.s32 $0xFFFFFFFF  }
0xb8: {  	_ =	strace $0x90000048  }
0xb9: {  	_ =	sfence  }
0xba: {  	s30 =	sld [smem:$0x0];
	_ =	sdelay $0x2  }
0xbb: {  	s31 =	sshll.u32 s1, $0xD;
	s1 =	sshrl.u32 s1, $0x2  }
0xbc: {  	s3 =	sand.u32 $0x4000, s31;
	s1 =	sadd.s32 s1, s30  }
0xbd: {  	s0 =	sor.u32 s3, s0;
	s1 =	sshll.u32 s1, $0x11  }
0xbe: {  	s0 =	sor.u32 s1, s0  }
0xbf: {  	s0 =	sadd.s32 $0x8F2B, s0  }
0xc0: {  	[sflag:s0] =	ssyncadd.remote.s32 $0x1  }
0xc1: {  	_ =	sfence.sel $0xFFFF  }
0xc2: {  	[dreg:$0x0] =	wrdreg $0xFFFFFFFF;
	(pc) =	sbr.abs _section_cstart, $3  }
0xc3: {  	[dreg:$0x1] =	wrdreg $0xFFFFFFFF  }
0xc4: {  	_ =	task.clear_ibuf [dreg:s8], $0x2FFFF;
	_ =	strace $0x9FFFFFFF  }
0xc5: {  	(tm) =	ssettm $0x7FFFFFFF  }
tec
execute0_lowered:
.L_overlay_start_1:
0x0: {  	(tag) =	ssettag $0x1  }
0x1: {  	s0 =	rddreg [dreg:$0x0]  }
0x2: {  	s1 =	rddreg [dreg:$0x1]  }
0x3: {  	s5 =	rddreg [dreg:$0x2]  }
0x4: {  	s2 =	rddreg [dreg:$0x3];
	s4 =	srdreg.scid;
	s3 =	simm.s32 $0x0  }
0x5: {  	s8 =	stileid.u32;
	s4 =	sand.u32 $0x1, s4;
	[smem:$0x7FF] =	sst s3  }
0x6: {  	s6 =	sshrl.u32 s8, $0x1;
	s8 =	sand.u32 $0x1, s8;
	s7 =	sshll.u32 s4, $0x3  }
0x7: {  	_ =	strace $0x80000047;
	s4 =	ssub.s32 $0x2, s4;
	s9 =	sshll.u32 s8, $0x12  }
0x8: {  	s11 =	sshll.u32 s8, $0x8;
	s23 =	sshll.u32 s6, $0xA;
	s7 =	sor.u32 s6, s7  }
0x9: {  	s12 =	sshrl.u32 s4, $0x1;
	s1 =	sadd.s32 s11, s1;
	s10 =	sshll.u32 s7, $0x13  }
0xa: {  	s20 =	sshrl.u32 s9, $0x2;
	s21 =	sshll.u32 s7, $0x9;
	s10 =	sor.u32 s9, s10  }
0xb: {  	s6 =	sshll.u32 s6, $0x11;
	s1 =	sadd.s32 s21, s1;
	s19 =	sshrl.u32 s10, $0x3  }
0xc: {  	s11 =	ssub.s32 s4, s12;
	s25 =	sadd.s32 $0x400, s1;
	s4 =	sadd.s32 s0, s19  }
0xd: {  	s0 =	sadd.s32 s20, s2;
	[dreg:$0x7] =	wrdreg s25;
	s22 =	sadd.s32 $0x800, s4  }
0xe: {  	s6 =	sadd.s32 s6, s0;
	s24 =	sadd.s32 $0x1000, s4;
	[dreg:$0x5] =	wrdreg s22  }
0xf: {  	[dreg:$0x6] =	wrdreg s24;
	s26 =	sadd.s32 $0x1000, s6  }
0x10: {  	s28 =	sadd.s32 $0x2000, s6;
	[dreg:$0x8] =	wrdreg s26  }
0x11: {  	s1 =	sadd.s32 $0x3000, s6;
	[dreg:$0x9] =	wrdreg s28  }
0x12: {  	s9 =	sadd.s32 $0x4000, s6;
	[dreg:$0xa] =	wrdreg s1  }
0x13: {  	s10 =	sadd.s32 $0x5000, s6;
	[dreg:$0xb] =	wrdreg s9  }
0x14: {  	s12 =	sadd.s32 $0x6000, s6;
	[dreg:$0xc] =	wrdreg s10  }
0x15: {  	v0 =	vmov s23;
	s23 =	simm.s32 $0x7;
	s13 =	sadd.s32 $0x7000, s6;
	[dreg:$0xd] =	wrdreg s12  }
0x16: {  	s21 =	sshll.u32 s7, $0xE;
	s14 =	sadd.s32 $0x8000, s6;
	[dreg:$0xe] =	wrdreg s13  }
0x17: {  	s19 =	sshll.u32 s8, $0xD;
	s15 =	sadd.s32 $0x9000, s6;
	[dreg:$0xf] =	wrdreg s14  }
0x18: {  	s0 =	sadd.s32 s5, s19;
	s16 =	sadd.s32 $0xA000, s6;
	[dreg:$0x10] =	wrdreg s15  }
0x19: {  	s29 =	sadd.s32 $0x2800, s4;
	s17 =	sadd.s32 $0xB000, s6;
	[dreg:$0x11] =	wrdreg s16  }
0x1a: {  	s30 =	sadd.s32 $0x3000, s4;
	s18 =	sadd.s32 $0xC000, s6;
	[dreg:$0x12] =	wrdreg s17  }
0x1b: {  	s31 =	sadd.s32 $0x3800, s4;
	s20 =	sadd.s32 $0xD000, s6;
	[dreg:$0x13] =	wrdreg s18  }
0x1c: {  	s5 =	sadd.s32 $0x5000, s4;
	s0 =	sadd.s32 s21, s0;
	[dreg:$0x14] =	wrdreg s20  }
0x1d: {  	s7 =	sadd.s32 $0x5800, s4;
	s22 =	sadd.s32 $0xE000, s6;
	[dreg:$0x15] =	wrdreg s0  }
0x1e: {  	s8 =	sadd.s32 $0x6000, s4;
	s24 =	smax.u32 s11, $0x1;
	[dreg:$0x16] =	wrdreg s22  }
0x1f: {  	s19 =	simm.s32 $0x80;
	s25 =	sadd.s32 $0xF000, s6;
	[dreg:$0x17] =	wrdreg s24  }
0x20: {  	s11 =	sadd.s32 $0x7800, s4;
	s21 =	simm.s32 $0x2;
	[dreg:$0x18] =	wrdreg s25  }
0x21: {  	s26 =	sadd.s32 $0x1800, s4;
	s28 =	sadd.s32 $0x2000, s4;
	s0 =	sadd.s32 $0x4000, s4  }
0x22: {  	s1 =	sadd.s32 $0x4800, s4;
	s9 =	sadd.s32 $0x6800, s4;
	s10 =	sadd.s32 $0x7000, s4  }
0x23: {  	s12 =	simm.s32 $0x4000;
	s13 =	simm.s32 $0x8000;
	s14 =	simm.s32 $0xC000  }
0x24: {  	s15 =	simm.s32 $0xC800;
	s16 =	simm.s32 $0x5;
	s17 =	simm.s32 $0x6  }
0x25: {  	s18 =	simm.s32 $0x1;
	s20 =	simm.s32 $0x4;
	[dreg:$0x19] =	wrdreg s26  }
0x26: {  	v1 =	vimm.f32 $0.0e+00;
	s22 =	simm.s32 $0x3;
	s24 =	simm.s32 $0x0;
	[dreg:$0x1a] =	wrdreg s28  }
.LBB2_1:
0x27: {  	[tilespmem:s3], [sflag:$0x1] =	stream.linear.gather [hbm4b:s4+s3], $0x4000, $0x38;
	[tilespmem:$0x1D800] =	vst v63  }
0x28: {  	s25 =	rddreg [dreg:$0x5]  }
0x29: {  	[tilespmem:s12], [sflag:$0x2] =	stream.linear.gather [hbm4b:s25+s3], $0x4000, $0x38;
	[tilespmem:$0x1D800] =	vst v63  }
0x2a: {  	s26 =	rddreg [dreg:$0x6]  }
0x2b: {  	[tilespmem:s13], [sflag:$0x3] =	stream.linear.gather [hbm4b:s26+s3], $0x4000, $0x38;
	[tilespmem:$0x1D800] =	vst v63  }
0x2c: {  	s28 =	rddreg [dreg:$0x7];
	s25 =	simm.s32 $0x0;
	s26 =	simm.s32 $0x200  }
0x2d: {  	[tilespmem:s14], [sflag:$0x5] =	stream.linear.gather [hbm4b:s28+s3], $0x800, $0x38;
	[tilespmem:$0x1D800] =	vst v63  }
.LBB2_2:
0x2e: {  	p0 =	sne.s32 s26, $0x3E00;
	[tilespmem:s25+$0xC870] =	vst v1  }
0x2f: {  	[tilespmem:s25+$0xC800] =	vst v1  }
0x30: {  	[tilespmem:s25+$0xC810] =	vst v1  }
.Ltmp0:
0x31: {  	[tilespmem:s25+$0xC820] =	vst v1;
	(pc) =	sbr.rel @p0 .LBB2_2-.Ltmp0, $4  }
0x32: {  	[tilespmem:s25+$0xC830] =	vst v1  }
0x33: {  	[tilespmem:s25+$0xC840] =	vst v1  }
0x34: {  	[tilespmem:s25+$0xC850] =	vst v1  }
0x35: {  	[tilespmem:s25+$0xC860] =	vst v1;
	s25 =	sshra.s32 s26, $0x2;
	s26 =	sadd.s32 $0x200, s26  }
0x36: {  	[tilespmem:s25+$0xC870] =	vst v1  }
0x37: {  	[tilespmem:s25+$0xC800] =	vst v1  }
0x38: {  	[tilespmem:s25+$0xC810] =	vst v1  }
0x39: {  	[tilespmem:s25+$0xC820] =	vst v1  }
0x3a: {  	[tilespmem:s25+$0xC830] =	vst v1  }
0x3b: {  	[tilespmem:s25+$0xC840] =	vst v1  }
0x3c: {  	[tilespmem:s25+$0xC850] =	vst v1  }
0x3d: {  	[tilespmem:s25+$0xC860] =	vst v1  }
0x3e: {  	[spmem:s6] =	stream.linear.scatter [tilespmem:s15], [sflag:$0x6], $0x1000, $0x38;
	[tilespmem:$0x1D800] =	vst v63  }
0x3f: {  	s28 =	rddreg [dreg:$0x8]  }
0x40: {  	[spmem:s28] =	stream.linear.scatter [tilespmem:s15], [sflag:$0x6], $0x1000, $0x38;
	[tilespmem:$0x1D800] =	vst v63  }
0x41: {  	s26 =	rddreg [dreg:$0x9]  }
0x42: {  	[spmem:s26] =	stream.linear.scatter [tilespmem:s15], [sflag:$0x6], $0x1000, $0x38;
	[tilespmem:$0x1D800] =	vst v63  }
0x43: {  	s28 =	rddreg [dreg:$0xa]  }
0x44: {  	[spmem:s28] =	stream.linear.scatter [tilespmem:s15], [sflag:$0x6], $0x1000, $0x38;
	[tilespmem:$0x1D800] =	vst v63  }
0x45: {  	s26 =	rddreg [dreg:$0xb]  }
0x46: {  	[spmem:s26] =	stream.linear.scatter [tilespmem:s15], [sflag:$0x6], $0x1000, $0x38;
	[tilespmem:$0x1D800] =	vst v63  }
0x47: {  	s28 =	rddreg [dreg:$0xc]  }
0x48: {  	[spmem:s28] =	stream.linear.scatter [tilespmem:s15], [sflag:$0x6], $0x1000, $0x38;
	[tilespmem:$0x1D800] =	vst v63  }
0x49: {  	s26 =	rddreg [dreg:$0xd]  }
0x4a: {  	[spmem:s26] =	stream.linear.scatter [tilespmem:s15], [sflag:$0x6], $0x1000, $0x38;
	[tilespmem:$0x1D800] =	vst v63  }
0x4b: {  	s28 =	rddreg [dreg:$0xe]  }
0x4c: {  	[spmem:s28] =	stream.linear.scatter [tilespmem:s15], [sflag:$0x6], $0x1000, $0x38;
	[tilespmem:$0x1D800] =	vst v63  }
0x4d: {  	s26 =	rddreg [dreg:$0xf]  }
0x4e: {  	[spmem:s26] =	stream.linear.scatter [tilespmem:s15], [sflag:$0x6], $0x1000, $0x38;
	[tilespmem:$0x1D800] =	vst v63  }
0x4f: {  	s28 =	rddreg [dreg:$0x10]  }
0x50: {  	[spmem:s28] =	stream.linear.scatter [tilespmem:s15], [sflag:$0x6], $0x1000, $0x38;
	[tilespmem:$0x1D800] =	vst v63  }
0x51: {  	s26 =	rddreg [dreg:$0x11]  }
0x52: {  	[spmem:s26] =	stream.linear.scatter [tilespmem:s15], [sflag:$0x6], $0x1000, $0x38;
	[tilespmem:$0x1D800] =	vst v63  }
0x53: {  	s28 =	rddreg [dreg:$0x12]  }
0x54: {  	[spmem:s28] =	stream.linear.scatter [tilespmem:s15], [sflag:$0x6], $0x1000, $0x38;
	[tilespmem:$0x1D800] =	vst v63  }
0x55: {  	s26 =	rddreg [dreg:$0x13]  }
0x56: {  	[spmem:s26] =	stream.linear.scatter [tilespmem:s15], [sflag:$0x6], $0x1000, $0x38;
	[tilespmem:$0x1D800] =	vst v63  }
0x57: {  	s28 =	rddreg [dreg:$0x14]  }
0x58: {  	[spmem:s28] =	stream.linear.scatter [tilespmem:s15], [sflag:$0x6], $0x1000, $0x38;
	[tilespmem:$0x1D800] =	vst v63  }
0x59: {  	s26 =	rddreg [dreg:$0x16]  }
0x5a: {  	[spmem:s26] =	stream.linear.scatter [tilespmem:s15], [sflag:$0x6], $0x1000, $0x38;
	[tilespmem:$0x1D800] =	vst v63  }
0x5b: {  	s28 =	rddreg [dreg:$0x18]  }
0x5c: {  	[spmem:s28] =	stream.linear.scatter [tilespmem:s15], [sflag:$0x6], $0x1000, $0x38;
	[tilespmem:$0x1D800] =	vst v63  }
0x5d: {  	_ =	swait.ge [sflag:s16], $0x800  }
0x5e: {  	[sflag:s16] =	ssyncset.done $0x0  }
0x5f: {  	s25 =	simm.s32 $0x0;
	[sflag:s16] =	ssyncadd.s32 $0xFFFFF800  }
0x60: {  	v4 =	vld [tilespmem:s25+$0xC000]  }
0x61: {  	v6 =	vld [tilespmem:s25+$0xC010]  }
0x62: {  	v5 =	vld [tilespmem:s25+$0xC020]  }
0x63: {  	v3 =	vld [tilespmem:s25+$0xC030]  }
0x64: {  	v2 =	vld [tilespmem:s25+$0xC040]  }
0x65: {  	v7 =	vadd.s32 v0, v4;
	v4 =	vld [tilespmem:s25+$0xC050]  }
0x66: {  	s26 =	simm.s32 $0x200;
	[tilespmem:s25+$0xC000] =	vst v7;
	v7 =	vadd.s32 v0, v6;
	v6 =	vld [tilespmem:s25+$0xC060]  }
.LBB2_4:
0x67: {  	s28 =	sshra.s32 s26, $0x2;
	p0 =	sne.s32 s26, $0x1E00;
	[tilespmem:s25+$0xC010] =	vst v7;
	v5 =	vadd.s32 v0, v5;
	v7 =	vld [tilespmem:s25+$0xC070]  }
0x68: {  	v8 =	vld [tilespmem:s28+$0xC000];
	[tilespmem:s25+$0xC020] =	vst v5;
	v3 =	vadd.s32 v0, v3  }
0x69: {  	v9 =	vld [tilespmem:s28+$0xC010];
	[tilespmem:s25+$0xC030] =	vst v3;
	v2 =	vadd.s32 v0, v2  }
.Ltmp1:
0x6a: {  	v5 =	vld [tilespmem:s28+$0xC020];
	[tilespmem:s25+$0xC040] =	vst v2;
	v2 =	vadd.s32 v0, v4;
	(pc) =	sbr.rel @p0 .LBB2_4-.Ltmp1, $4  }
0x6b: {  	v3 =	vld [tilespmem:s28+$0xC030];
	[tilespmem:s25+$0xC050] =	vst v2;
	v4 =	vadd.s32 v0, v6  }
0x6c: {  	v2 =	vld [tilespmem:s28+$0xC040];
	[tilespmem:s25+$0xC060] =	vst v4;
	v6 =	vadd.s32 v0, v7  }
0x6d: {  	v7 =	vadd.s32 v0, v8;
	v4 =	vld [tilespmem:s28+$0xC050];
	[tilespmem:s25+$0xC070] =	vst v6;
	s25 =	smov.u32 s28  }
0x6e: {  	s26 =	sadd.s32 $0x200, s26;
	[tilespmem:s25+$0xC000] =	vst v7;
	v7 =	vadd.s32 v0, v9;
	v6 =	vld [tilespmem:s25+$0xC060]  }
0x6f: {  	[tilespmem:s25+$0xC010] =	vst v7;
	v5 =	vadd.s32 v0, v5;
	v63 =	vld [tilespmem:s25+$0xC070]  }
0x70: {  	[tilespmem:s25+$0xC020] =	vst v5;
	v3 =	vadd.s32 v0, v3  }
0x71: {  	[tilespmem:s25+$0xC030] =	vst v3;
	v2 =	vadd.s32 v0, v2  }
0x72: {  	[tilespmem:s25+$0xC040] =	vst v2;
	v2 =	vadd.s32 v0, v4  }
0x73: {  	[tilespmem:s25+$0xC050] =	vst v2;
	v2 =	vadd.s32 v0, v6  }
0x74: {  	[tilespmem:s25+$0xC060] =	vst v2;
	v2 =	vadd.s32 v0, v63  }
0x75: {  	[tilespmem:s25+$0xC070] =	vst v2  }
0x76: {  	_ =	swait.ge [sflag:s17], $0x1000  }
0x77: {  	[sflag:s17] =	ssyncset.done $0x0  }
0x78: {  	[sflag:s17] =	ssyncadd.s32 $0xFFFFF000  }
0x79: {  	_ =	swait.ge [sflag:s17], $0x1000  }
0x7a: {  	[sflag:s17] =	ssyncset.done $0x0  }
0x7b: {  	[sflag:s17] =	ssyncadd.s32 $0xFFFFF000  }
0x7c: {  	_ =	swait.ge [sflag:s17], $0x1000  }
0x7d: {  	[sflag:s17] =	ssyncset.done $0x0  }
0x7e: {  	[sflag:s17] =	ssyncadd.s32 $0xFFFFF000  }
0x7f: {  	_ =	swait.ge [sflag:s17], $0x1000  }
0x80: {  	[sflag:s17] =	ssyncset.done $0x0  }
0x81: {  	[sflag:s17] =	ssyncadd.s32 $0xFFFFF000  }
0x82: {  	_ =	swait.ge [sflag:s17], $0x1000  }
0x83: {  	[sflag:s17] =	ssyncset.done $0x0  }
0x84: {  	[sflag:s17] =	ssyncadd.s32 $0xFFFFF000  }
0x85: {  	_ =	swait.ge [sflag:s17], $0x1000  }
0x86: {  	[sflag:s17] =	ssyncset.done $0x0  }
0x87: {  	[sflag:s17] =	ssyncadd.s32 $0xFFFFF000  }
0x88: {  	_ =	swait.ge [sflag:s17], $0x1000  }
0x89: {  	[sflag:s17] =	ssyncset.done $0x0  }
0x8a: {  	[sflag:s17] =	ssyncadd.s32 $0xFFFFF000  }
0x8b: {  	_ =	swait.ge [sflag:s17], $0x1000  }
0x8c: {  	[sflag:s17] =	ssyncset.done $0x0  }
0x8d: {  	[sflag:s17] =	ssyncadd.s32 $0xFFFFF000  }
0x8e: {  	_ =	swait.ge [sflag:s17], $0x1000  }
0x8f: {  	[sflag:s17] =	ssyncset.done $0x0  }
0x90: {  	[sflag:s17] =	ssyncadd.s32 $0xFFFFF000  }
0x91: {  	_ =	swait.ge [sflag:s17], $0x1000  }
0x92: {  	[sflag:s17] =	ssyncset.done $0x0  }
0x93: {  	[sflag:s17] =	ssyncadd.s32 $0xFFFFF000  }
0x94: {  	_ =	swait.ge [sflag:s17], $0x1000  }
0x95: {  	[sflag:s17] =	ssyncset.done $0x0  }
0x96: {  	[sflag:s17] =	ssyncadd.s32 $0xFFFFF000  }
0x97: {  	_ =	swait.ge [sflag:s17], $0x1000  }
0x98: {  	[sflag:s17] =	ssyncset.done $0x0  }
0x99: {  	[sflag:s17] =	ssyncadd.s32 $0xFFFFF000  }
0x9a: {  	_ =	swait.ge [sflag:s17], $0x1000  }
0x9b: {  	[sflag:s17] =	ssyncset.done $0x0  }
0x9c: {  	[sflag:s17] =	ssyncadd.s32 $0xFFFFF000  }
0x9d: {  	_ =	swait.ge [sflag:s17], $0x1000  }
0x9e: {  	[sflag:s17] =	ssyncset.done $0x0  }
0x9f: {  	[sflag:s17] =	ssyncadd.s32 $0xFFFFF000  }
0xa0: {  	_ =	swait.ge [sflag:s17], $0x1000  }
0xa1: {  	[sflag:s17] =	ssyncset.done $0x0  }
0xa2: {  	[sflag:s17] =	ssyncadd.s32 $0xFFFFF000  }
0xa3: {  	_ =	swait.ge [sflag:s17], $0x1000  }
0xa4: {  	[sflag:s17] =	ssyncset.done $0x0  }
0xa5: {  	[sflag:s17] =	ssyncadd.s32 $0xFFFFF000  }
0xa6: {  	[bflag:$0x0] =	sbarrier.arrive $0xFFFF  }
0xa7: {  	_ =	swait.ge [sflag:s18], $0x4000  }
0xa8: {  	[sflag:s18] =	ssyncset.done $0x0  }
0xa9: {  	[sflag:s18] =	ssyncadd.s32 $0xFFFFC000  }
0xaa: {  	[spmem:s2] =	stream.indirect.scatter.add.f32 [tilespmem:s3], [sflag:$0x4], $0x80, s14, s19, $0xb8;
	[tilespmem:$0x1D800] =	vst v63  }
0xab: {  	_ =	swait.ge [sflag:s20], $0x4000  }
0xac: {  	[sflag:s20] =	ssyncset.done $0x0  }
0xad: {  	s28 =	rddreg [dreg:$0x19];
	[sflag:s20] =	ssyncadd.s32 $0xFFFFC000  }
0xae: {  	[tilespmem:s3], [sflag:$0x1] =	stream.linear.gather [hbm4b:s28+s3], $0x4000, $0x38;
	[tilespmem:$0x1D800] =	vst v63  }
0xaf: {  	_ =	swait.ge [sflag:s21], $0x4000  }
0xb0: {  	[sflag:s21] =	ssyncset.done $0x0  }
0xb1: {  	s26 =	simm.s32 $0xC080;
	[sflag:s21] =	ssyncadd.s32 $0xFFFFC000  }
0xb2: {  	[spmem:s2] =	stream.indirect.scatter.add.f32 [tilespmem:s12], [sflag:$0x4], $0x80, s26, s19, $0xb8;
	[tilespmem:$0x1D800] =	vst v63  }
0xb3: {  	_ =	swait.ge [sflag:s20], $0x4000  }
0xb4: {  	[sflag:s20] =	ssyncset.done $0x0  }
0xb5: {  	s28 =	rddreg [dreg:$0x1a];
	[sflag:s20] =	ssyncadd.s32 $0xFFFFC000  }
0xb6: {  	[tilespmem:s12], [sflag:$0x2] =	stream.linear.gather [hbm4b:s28+s3], $0x4000, $0x38;
	[tilespmem:$0x1D800] =	vst v63  }
0xb7: {  	_ =	swait.ge [sflag:s22], $0x4000  }
0xb8: {  	[sflag:s22] =	ssyncset.done $0x0  }
0xb9: {  	s26 =	simm.s32 $0xC100;
	[sflag:s22] =	ssyncadd.s32 $0xFFFFC000  }
0xba: {  	[spmem:s2] =	stream.indirect.scatter.add.f32 [tilespmem:s13], [sflag:$0x4], $0x80, s26, s19, $0xb8;
	[tilespmem:$0x1D800] =	vst v63  }
0xbb: {  	_ =	swait.ge [sflag:s20], $0x4000  }
0xbc: {  	[sflag:s20] =	ssyncset.done $0x0  }
0xbd: {  	[sflag:s20] =	ssyncadd.s32 $0xFFFFC000  }
0xbe: {  	[tilespmem:s13], [sflag:$0x3] =	stream.linear.gather [hbm4b:s29+s3], $0x4000, $0x38;
	[tilespmem:$0x1D800] =	vst v63  }
0xbf: {  	_ =	swait.ge [sflag:s18], $0x4000  }
0xc0: {  	[sflag:s18] =	ssyncset.done $0x0  }
0xc1: {  	s28 =	simm.s32 $0xC180;
	[sflag:s18] =	ssyncadd.s32 $0xFFFFC000  }
0xc2: {  	[spmem:s2] =	stream.indirect.scatter.add.f32 [tilespmem:s3], [sflag:$0x4], $0x80, s28, s19, $0xb8;
	[tilespmem:$0x1D800] =	vst v63  }
0xc3: {  	_ =	swait.ge [sflag:s20], $0x4000  }
0xc4: {  	[sflag:s20] =	ssyncset.done $0x0  }
0xc5: {  	[sflag:s20] =	ssyncadd.s32 $0xFFFFC000  }
0xc6: {  	[tilespmem:s3], [sflag:$0x1] =	stream.linear.gather [hbm4b:s30+s3], $0x4000, $0x38;
	[tilespmem:$0x1D800] =	vst v63  }
0xc7: {  	_ =	swait.ge [sflag:s21], $0x4000  }
0xc8: {  	[sflag:s21] =	ssyncset.done $0x0  }
0xc9: {  	s26 =	simm.s32 $0xC200;
	[sflag:s21] =	ssyncadd.s32 $0xFFFFC000  }
0xca: {  	[spmem:s2] =	stream.indirect.scatter.add.f32 [tilespmem:s12], [sflag:$0x4], $0x80, s26, s19, $0xb8;
	[tilespmem:$0x1D800] =	vst v63  }
0xcb: {  	_ =	swait.ge [sflag:s20], $0x4000  }
0xcc: {  	[sflag:s20] =	ssyncset.done $0x0  }
0xcd: {  	[sflag:s20] =	ssyncadd.s32 $0xFFFFC000  }
0xce: {  	[tilespmem:s12], [sflag:$0x2] =	stream.linear.gather [hbm4b:s31+s3], $0x4000, $0x38;
	[tilespmem:$0x1D800] =	vst v63  }
0xcf: {  	_ =	swait.ge [sflag:s22], $0x4000  }
0xd0: {  	[sflag:s22] =	ssyncset.done $0x0  }
0xd1: {  	s28 =	simm.s32 $0xC280;
	[sflag:s22] =	ssyncadd.s32 $0xFFFFC000  }
0xd2: {  	[spmem:s2] =	stream.indirect.scatter.add.f32 [tilespmem:s13], [sflag:$0x4], $0x80, s28, s19, $0xb8;
	[tilespmem:$0x1D800] =	vst v63  }
0xd3: {  	_ =	swait.ge [sflag:s20], $0x4000  }
0xd4: {  	[sflag:s20] =	ssyncset.done $0x0  }
0xd5: {  	[sflag:s20] =	ssyncadd.s32 $0xFFFFC000  }
0xd6: {  	[tilespmem:s13], [sflag:$0x3] =	stream.linear.gather [hbm4b:s0+s3], $0x4000, $0x38;
	[tilespmem:$0x1D800] =	vst v63  }
0xd7: {  	_ =	swait.ge [sflag:s18], $0x4000  }
0xd8: {  	[sflag:s18] =	ssyncset.done $0x0  }
0xd9: {  	s26 =	simm.s32 $0xC300;
	[sflag:s18] =	ssyncadd.s32 $0xFFFFC000  }
0xda: {  	[spmem:s2] =	stream.indirect.scatter.add.f32 [tilespmem:s3], [sflag:$0x4], $0x80, s26, s19, $0xb8;
	[tilespmem:$0x1D800] =	vst v63  }
0xdb: {  	_ =	swait.ge [sflag:s20], $0x4000  }
0xdc: {  	[sflag:s20] =	ssyncset.done $0x0  }
0xdd: {  	[sflag:s20] =	ssyncadd.s32 $0xFFFFC000  }
0xde: {  	[tilespmem:s3], [sflag:$0x1] =	stream.linear.gather [hbm4b:s1+s3], $0x4000, $0x38;
	[tilespmem:$0x1D800] =	vst v63  }
0xdf: {  	_ =	swait.ge [sflag:s21], $0x4000  }
0xe0: {  	[sflag:s21] =	ssyncset.done $0x0  }
0xe1: {  	s28 =	simm.s32 $0xC380;
	[sflag:s21] =	ssyncadd.s32 $0xFFFFC000  }
0xe2: {  	[spmem:s2] =	stream.indirect.scatter.add.f32 [tilespmem:s12], [sflag:$0x4], $0x80, s28, s19, $0xb8;
	[tilespmem:$0x1D800] =	vst v63  }
0xe3: {  	_ =	swait.ge [sflag:s20], $0x4000  }
0xe4: {  	[sflag:s20] =	ssyncset.done $0x0  }
0xe5: {  	[sflag:s20] =	ssyncadd.s32 $0xFFFFC000  }
0xe6: {  	[tilespmem:s12], [sflag:$0x2] =	stream.linear.gather [hbm4b:s5+s3], $0x4000, $0x38;
	[tilespmem:$0x1D800] =	vst v63  }
0xe7: {  	_ =	swait.ge [sflag:s22], $0x4000  }
0xe8: {  	[sflag:s22] =	ssyncset.done $0x0  }
0xe9: {  	s26 =	simm.s32 $0xC400;
	[sflag:s22] =	ssyncadd.s32 $0xFFFFC000  }
0xea: {  	[spmem:s2] =	stream.indirect.scatter.add.f32 [tilespmem:s13], [sflag:$0x4], $0x80, s26, s19, $0xb8;
	[tilespmem:$0x1D800] =	vst v63  }
0xeb: {  	_ =	swait.ge [sflag:s20], $0x4000  }
0xec: {  	[sflag:s20] =	ssyncset.done $0x0  }
0xed: {  	[sflag:s20] =	ssyncadd.s32 $0xFFFFC000  }
0xee: {  	[tilespmem:s13], [sflag:$0x3] =	stream.linear.gather [hbm4b:s7+s3], $0x4000, $0x38;
	[tilespmem:$0x1D800] =	vst v63  }
0xef: {  	_ =	swait.ge [sflag:s18], $0x4000  }
0xf0: {  	[sflag:s18] =	ssyncset.done $0x0  }
0xf1: {  	s28 =	simm.s32 $0xC480;
	[sflag:s18] =	ssyncadd.s32 $0xFFFFC000  }
0xf2: {  	[spmem:s2] =	stream.indirect.scatter.add.f32 [tilespmem:s3], [sflag:$0x4], $0x80, s28, s19, $0xb8;
	[tilespmem:$0x1D800] =	vst v63  }
0xf3: {  	_ =	swait.ge [sflag:s20], $0x4000  }
0xf4: {  	[sflag:s20] =	ssyncset.done $0x0  }
0xf5: {  	[sflag:s20] =	ssyncadd.s32 $0xFFFFC000  }
0xf6: {  	[tilespmem:s3], [sflag:$0x1] =	stream.linear.gather [hbm4b:s8+s3], $0x4000, $0x38;
	[tilespmem:$0x1D800] =	vst v63  }
0xf7: {  	_ =	swait.ge [sflag:s21], $0x4000  }
0xf8: {  	[sflag:s21] =	ssyncset.done $0x0  }
0xf9: {  	s26 =	simm.s32 $0xC500;
	[sflag:s21] =	ssyncadd.s32 $0xFFFFC000  }
0xfa: {  	[spmem:s2] =	stream.indirect.scatter.add.f32 [tilespmem:s12], [sflag:$0x4], $0x80, s26, s19, $0xb8;
	[tilespmem:$0x1D800] =	vst v63  }
0xfb: {  	_ =	swait.ge [sflag:s20], $0x4000  }
0xfc: {  	[sflag:s20] =	ssyncset.done $0x0  }
0xfd: {  	[sflag:s20] =	ssyncadd.s32 $0xFFFFC000  }
0xfe: {  	[tilespmem:s12], [sflag:$0x2] =	stream.linear.gather [hbm4b:s9+s3], $0x4000, $0x38;
	[tilespmem:$0x1D800] =	vst v63  }
0xff: {  	_ =	swait.ge [sflag:s22], $0x4000  }
0x100: {  	[sflag:s22] =	ssyncset.done $0x0  }
0x101: {  	s28 =	simm.s32 $0xC580;
	[sflag:s22] =	ssyncadd.s32 $0xFFFFC000  }
0x102: {  	[spmem:s2] =	stream.indirect.scatter.add.f32 [tilespmem:s13], [sflag:$0x4], $0x80, s28, s19, $0xb8;
	[tilespmem:$0x1D800] =	vst v63  }
0x103: {  	_ =	swait.ge [sflag:s20], $0x4000  }
0x104: {  	[sflag:s20] =	ssyncset.done $0x0  }
0x105: {  	[sflag:s20] =	ssyncadd.s32 $0xFFFFC000  }
0x106: {  	[tilespmem:s13], [sflag:$0x3] =	stream.linear.gather [hbm4b:s10+s3], $0x4000, $0x38;
	[tilespmem:$0x1D800] =	vst v63  }
0x107: {  	_ =	swait.ge [sflag:s18], $0x4000  }
0x108: {  	[sflag:s18] =	ssyncset.done $0x0  }
0x109: {  	s26 =	simm.s32 $0xC600;
	[sflag:s18] =	ssyncadd.s32 $0xFFFFC000  }
0x10a: {  	[spmem:s2] =	stream.indirect.scatter.add.f32 [tilespmem:s3], [sflag:$0x4], $0x80, s26, s19, $0xb8;
	[tilespmem:$0x1D800] =	vst v63  }
0x10b: {  	_ =	swait.ge [sflag:s20], $0x4000  }
0x10c: {  	[sflag:s20] =	ssyncset.done $0x0  }
0x10d: {  	[sflag:s20] =	ssyncadd.s32 $0xFFFFC000  }
0x10e: {  	[tilespmem:s3], [sflag:$0x1] =	stream.linear.gather [hbm4b:s11+s3], $0x4000, $0x38;
	[tilespmem:$0x1D800] =	vst v63  }
0x10f: {  	_ =	swait.ge [sflag:s21], $0x4000  }
0x110: {  	[sflag:s21] =	ssyncset.done $0x0  }
0x111: {  	s28 =	simm.s32 $0xC680;
	[sflag:s21] =	ssyncadd.s32 $0xFFFFC000  }
0x112: {  	[spmem:s2] =	stream.indirect.scatter.add.f32 [tilespmem:s12], [sflag:$0x4], $0x80, s28, s19, $0xb8;
	[tilespmem:$0x1D800] =	vst v63  }
0x113: {  	_ =	swait.ge [sflag:s20], $0x4000  }
0x114: {  	[sflag:s20] =	ssyncset.done $0x0  }
0x115: {  	[sflag:s20] =	ssyncadd.s32 $0xFFFFC000  }
0x116: {  	_ =	swait.ge [sflag:s22], $0x4000  }
0x117: {  	[sflag:s22] =	ssyncset.done $0x0  }
0x118: {  	s26 =	simm.s32 $0xC700;
	[sflag:s22] =	ssyncadd.s32 $0xFFFFC000  }
0x119: {  	[spmem:s2] =	stream.indirect.scatter.add.f32 [tilespmem:s13], [sflag:$0x4], $0x80, s26, s19, $0xb8;
	[tilespmem:$0x1D800] =	vst v63  }
0x11a: {  	_ =	swait.ge [sflag:s20], $0x4000  }
0x11b: {  	[sflag:s20] =	ssyncset.done $0x0  }
0x11c: {  	[sflag:s20] =	ssyncadd.s32 $0xFFFFC000  }
0x11d: {  	_ =	swait.ge [sflag:s18], $0x4000  }
0x11e: {  	[sflag:s18] =	ssyncset.done $0x0  }
0x11f: {  	s28 =	simm.s32 $0xC780;
	[sflag:s18] =	ssyncadd.s32 $0xFFFFC000  }
0x120: {  	[spmem:s2] =	stream.indirect.scatter.add.f32 [tilespmem:s3], [sflag:$0x4], $0x80, s28, s19, $0xb8;
	[tilespmem:$0x1D800] =	vst v63  }
0x121: {  	_ =	swait.ge [sflag:s20], $0x4000  }
0x122: {  	[sflag:s20] =	ssyncset.done $0x0  }
0x123: {  	s26 =	stileid.u32;
	[sflag:s20] =	ssyncadd.s32 $0xFFFFC000  }
0x124: {  	s25 =	sshll.u32 s26, $0x6;
	[bflag:$0x0] =	sbarrier.arrive $0xFFFF  }
0x125: {  	s26 =	sshrl.u32 s6, $0x3;
	s25 =	sor.u32 $0x1C07, s25;
	s28 =	rddreg [dreg:$0x15]  }
0x126: {  	[hbm:s28], [sflag:s25] =	dma.local [spmem:s26], $0x2000  }
0x127: {  	_ =	swait.ge [sflag:s23], $0x2000  }
0x128: {  	s24 =	sadd.s32 $0x1, s24;
	s28 =	rddreg [dreg:$0x17]  }
0x129: {  	p0 =	sne.s32 s24, s28  }
.Ltmp2:
0x12a: {  	_ = 	snop;
	(pc) =	sbr.rel @p0 .LBB2_1-.Ltmp2, $3  }
0x12b: {  	_ =	sdelay $0x1  }
0x12c: {  	[sflag:s23] =	ssyncset.done $0x0  }
0x12d: {  	[sflag:s23] =	ssyncadd.s32 $0xFFFFE000  }
0x12e: {  	_ =	sfence.sel $0x180000  }
0x12f: {  	[bflag:$0x0] =	sbarrier.arrive $0xFFFF  }
0x130: {  	_ =	strace $0x90000047  }
0x131: {  	s0 =	stileid.u32;
	[bflag:$0x2] =	sbarrier.arrive $0xFFFF  }
0x132: {  	p0 =	sne.s32 s0, $0x0;
	s0 =	rddreg [dreg:$0x4]  }
0x133: {  	s0 =	sadd.s32 @!p0 $0x100000, s0  }
0x134: {  	[sflag:s0] =	ssyncadd.tile.s32 @!p0 $0x1;
	_ =	shalt  }
.Lfunc_end2:
_tile_overlayer_lowered:
.L_overlay_start_2:
0x135: {  	(tag) =	ssettag $0x2  }
0x136: {  	s0 =	rddreg [dreg:$0x0];
	s2 =	stileid.u32  }
0x137: {  	s1 =	rddreg [dreg:$0x1];
	p0 =	sne.s32 s2, $0x0  }
0x138: {  	s3 =	rddreg [dreg:$0x2];
	[bflag:$0x3] =	sbarrier.arrive $0xFFFF;
	s2 =	simm.s32 @!p0 $0x1C07  }
0x139: {  	[timem:s3], [sflag:s2] =	dma.local @!p0 [hbm:s0], s1  }
0x13a: {  	s0 =	simm.s32 @!p0 $0x7  }
0x13b: {  	_ =	swait.ge @!p0 [sflag:s0], s1  }
0x13c: {  	s1 =	ssub.s32 @!p0 $0x0, s1;
	[sflag:s0] =	ssyncset.done @!p0 $0x0  }
0x13d: {  	[sflag:s0] =	ssyncadd.s32 @!p0 s1  }
0x13e: {  	[bflag:$0x3] =	sbarrier.arrive $0xFFFF  }
0x13f: {  	_ =	shalt  }

</sc_bundles>
